<compile_context>
chip_gen: v7x
topology: tpu7x:2x2x1
jax: 0.10.2.dev20260603
libtpu: 0.0.44.dev20260713+nightly
codegen_flags: <defaults>
</compile_context>

<pallas_src>
import functools

import jax
import jax.numpy as jnp
from jax import lax
from jax.experimental import pallas as pl
from jax.experimental.pallas import tpu as pltpu
from jax.experimental.pallas import tpu_sc as plsc

_NC = 2
_NS = 16
_NW = _NC * _NS
_L = 16
_B = 8192
_D = 64
_BPW = _B // _NW

_mesh = plsc.VectorSubcoreMesh(core_axis_name="c", subcore_axis_name="s")


@functools.partial(
    pl.kernel,
    mesh=_mesh,
    compiler_params=pltpu.CompilerParams(use_tc_tiling_on_sc=True),
    out_type=(
        jax.ShapeDtypeStruct((_NW, _L), jnp.float32),
        jax.ShapeDtypeStruct((_NW, _L), jnp.float32),
        jax.ShapeDtypeStruct((_NW, _L), jnp.float32),
    ),
    scratch_types=[
        pltpu.VMEM((_BPW,), jnp.int32),
        pltpu.VMEM((_BPW, _D), jnp.float32),
        pltpu.VMEM((_BPW, _D), jnp.float32),
        pltpu.VMEM((3, _L), jnp.float32),
        pltpu.SemaphoreType.DMA,
        pltpu.SemaphoreType.DMA,
    ],
)
def _sc_partials(idx_hbm, feat_hbm, table_hbm, e2_hbm, dt_hbm, f2_hbm,
                 idx_v, rows_v, feat_v, acc_v, gsem, fsem):
    wid = lax.axis_index("s") * _NC + lax.axis_index("c")
    base = wid * _BPW
    pltpu.sync_copy(idx_hbm.at[pl.ds(base, _BPW)], idx_v)
    fcopy = pltpu.async_copy(feat_hbm.at[pl.ds(base, _BPW)], feat_v, fsem)

    def fire(k, carry):
        iv = idx_v[pl.ds(k * _L, _L)]
        for j in range(_L):
            di = iv[j]
            pltpu.async_copy(table_hbm.at[pl.ds(di, 1)],
                             rows_v.at[pl.ds(k * _L + j, 1)], gsem)
        return carry

    lax.fori_loop(0, _BPW // _L, fire, 0)
    pltpu.make_async_copy(table_hbm.at[pl.ds(0, _BPW)], rows_v, gsem).wait()
    fcopy.wait()

    zeros = jnp.zeros((_L,), jnp.float32)

    def body(i, carry):
        e2, dt, f2 = carry
        for j in range(_D // _L):
            r = rows_v[i, pl.ds(j * _L, _L)]
            f = feat_v[i, pl.ds(j * _L, _L)]
            e2 = e2 + r * r
            dt = dt + r * f
            f2 = f2 + f * f
        return (e2, dt, f2)

    e2, dt, f2 = lax.fori_loop(0, _BPW, body, (zeros, zeros, zeros))
    acc_v[0, :] = e2
    acc_v[1, :] = dt
    acc_v[2, :] = f2
    pltpu.sync_copy(acc_v.at[0], e2_hbm.at[wid])
    pltpu.sync_copy(acc_v.at[1], dt_hbm.at[wid])
    pltpu.sync_copy(acc_v.at[2], f2_hbm.at[wid])


def _combine_body(e2_ref, dt_ref, f2_ref, o_ref):
    e2 = jnp.sum(e2_ref[...])
    dt = jnp.sum(dt_ref[...])
    f2 = jnp.sum(f2_ref[...])
    o_ref[0, 0] = 2.0 * f2 - 2.0 * jnp.sqrt(f2 / e2) * dt


_combine = pl.pallas_call(
    _combine_body,
    out_shape=jax.ShapeDtypeStruct((1, 1), jnp.float32),
    out_specs=pl.BlockSpec(memory_space=pltpu.SMEM),
)


def kernel(feature, item, neigh, pca_emb):
    idx = jnp.concatenate([item, neigh]).astype(jnp.int32)
    e2p, dtp, f2p = _sc_partials(idx, feature, pca_emb)
    out = _combine(e2p, dtp, f2p)
    return out[0, 0]

# --- scband reference (transcript-rebuilt; emitter-appended) ---
"""Pipeline reference for scband-pcaregularizer-90314572300579 (READ-ONLY COPY).

The authoritative reference and input builder live on the scoring server;
editing this copy changes nothing except your own understanding.
"""

import jax, jax.numpy as jnp
import numpy as np


def setup_inputs(seed: int = 0) -> dict:
    key = jax.random.key(seed)
    k1, k2, k3, k4 = jax.random.split(key, 4)
    feature = jax.random.normal(k1, (8192, 64), dtype=jnp.float32)
    item = jax.random.randint(k2, (4096,), 0, 100000, dtype=jnp.int64)
    neigh = jax.random.randint(k3, (4096,), 0, 100000, dtype=jnp.int64)
    pca_emb = jax.random.normal(k4, (100000, 64), dtype=jnp.float32)
    return {"feature": feature, "item": item, "neigh": neigh, "pca_emb": pca_emb}


def reference(feature, item, neigh, pca_emb):
    # reg_pca_force == 'both': gather rows for concatenated [item, neigh]
    batch_idx = jnp.concatenate([item, neigh], axis=0)
    emb = jnp.take(pca_emb, batch_idx, axis=0)
    # reg_scaling == 'norm': rescale emb to match the norm of feature
    emb = emb * jnp.linalg.norm(feature) / jnp.linalg.norm(emb)
    # mse_loss with reduction='sum'
    reg = jnp.sum((emb - feature) ** 2)
    return reg

if __name__ == "__main__":
    import jax
    _d = setup_inputs()
    print(jax.jit(kernel)(*tuple(_d.values())))

</pallas_src>

<mosaic_0001>
#map = affine_map<(d0, d1) -> (0)>
#map1 = affine_map<(d0, d1) -> (0, 0)>
module attributes {stable_mosaic.version = 14 : i64} {
  func.func @_sc_partials(%arg0: i32, %arg1: i32, %arg2: memref<8192xi32, #tpu.memory_space<hbm>>, %arg3: memref<8192x64xf32, #tpu.memory_space<hbm>>, %arg4: memref<100000x64xf32, #tpu.memory_space<hbm>>, %arg5: memref<32x16xf32, #tpu.memory_space<hbm>>, %arg6: memref<32x16xf32, #tpu.memory_space<hbm>>, %arg7: memref<32x16xf32, #tpu.memory_space<hbm>>, %arg8: memref<256xi32, #tpu.memory_space<vmem>>, %arg9: memref<256x64xf32, #tpu.memory_space<vmem>>, %arg10: memref<256x64xf32, #tpu.memory_space<vmem>>, %arg11: memref<3x16xf32, #tpu.memory_space<vmem>>, %arg12: memref<!tpu.dma_semaphore, #tpu.memory_space<semaphore_mem>>, %arg13: memref<!tpu.dma_semaphore, #tpu.memory_space<semaphore_mem>>) attributes {dimension_semantics = [#tpu.dimension_semantics<core_parallel>, #tpu.dimension_semantics<subcore_parallel>], iteration_bounds = array<i64: 2, 16>, scalar_prefetch = 0 : i64, scratch_operands = 6 : i64, tpu.core_type = #tpu.core_type<sc_vector_subcore>, window_params = [{transform_indices = #map}, {transform_indices = #map1}, {transform_indices = #map1}, {transform_indices = #map1}, {transform_indices = #map1}, {transform_indices = #map1}]} {
    %mul3A = arith.constant 2 : i32
    %mul3A_0 = arith.muli %arg1, %mul3A : i32
    %add3A = arith.addi %mul3A_0, %arg0 : i32
    %mul3A_1 = arith.constant 256 : i32
    %mul3A_2 = arith.muli %add3A, %mul3A_1 : i32
    "tpu.region"() ({
      %run_scoped3A_46 = tpu.sem_alloc : memref<!tpu.dma_semaphore, #tpu.memory_space<semaphore_mem>>
      %dma_start3A_47 = tpu.memref_slice %arg2[%mul3A_2] : memref<8192xi32, #tpu.memory_space<hbm>> -> memref<256xi32, #tpu.memory_space<hbm>>
      %dma_start3A_48 = tpu.memref_slice %arg2[%mul3A_2] : memref<8192xi32, #tpu.memory_space<hbm>> -> memref<256xi32, #tpu.memory_space<hbm>>
      tpu.enqueue_dma source(%dma_start3A_48 : memref<256xi32, #tpu.memory_space<hbm>>) target(%arg8 : memref<256xi32, #tpu.memory_space<vmem>>) target_semaphore(%run_scoped3A_46 : memref<!tpu.dma_semaphore, #tpu.memory_space<semaphore_mem>>)
      %dma_wait3A_49 = tpu.memref_slice %arg2[%mul3A_2] : memref<8192xi32, #tpu.memory_space<hbm>> -> memref<256xi32, #tpu.memory_space<hbm>>
      %dma_wait3A_50 = tpu.memref_slice %arg2[%mul3A_2] : memref<8192xi32, #tpu.memory_space<hbm>> -> memref<256xi32, #tpu.memory_space<hbm>>
      tpu.wait_dma2 semaphore(%run_scoped3A_46 : memref<!tpu.dma_semaphore, #tpu.memory_space<semaphore_mem>>) src(%dma_wait3A_50 : memref<256xi32, #tpu.memory_space<hbm>>) dst(%arg8 : memref<256xi32, #tpu.memory_space<vmem>>)
      tpu.yield
    }) : () -> ()
    %dma_start3A = arith.constant 0 : i32
    %dma_start3A_3 = tpu.memref_slice %arg3[%mul3A_2, %dma_start3A] : memref<8192x64xf32, #tpu.memory_space<hbm>> -> memref<256x64xf32, #tpu.memory_space<hbm>>
    %dma_start3A_4 = arith.constant 0 : i32
    %dma_start3A_5 = tpu.memref_slice %arg3[%mul3A_2, %dma_start3A_4] : memref<8192x64xf32, #tpu.memory_space<hbm>> -> memref<256x64xf32, #tpu.memory_space<hbm>>
    tpu.enqueue_dma source(%dma_start3A_5 : memref<256x64xf32, #tpu.memory_space<hbm>>) target(%arg10 : memref<256x64xf32, #tpu.memory_space<vmem>>) target_semaphore(%arg13 : memref<!tpu.dma_semaphore, #tpu.memory_space<semaphore_mem>>)
    %scan3A = arith.constant 0 : i32
    %scan3A_6 = arith.constant 0 : i32
    %scan3A_7 = arith.constant 16 : i32
    %scan3A_8 = arith.addi %scan3A_6, %scan3A_7 : i32
    %scan3A_9 = arith.constant 1 : i32
    scf.for %scan3A_46 = %scan3A_6 to %scan3A_8 step %scan3A_9  : i32 {
      %mul3A_47 = arith.constant 16 : i32
      %mul3A_48 = arith.muli %scan3A_46, %mul3A_47 : i32
      %get3A = arith.index_cast %mul3A_48 : i32 to index
      %get3A_49 = tpu.vector_load %arg8[%get3A] {strides = array<i32>} : memref<256xi32, #tpu.memory_space<vmem>>, vector<16xi32>,
      %get3A_50 = vector.shape_cast %get3A_49 : vector<16xi32> to vector<16xi32>
      %slice3A = vector.extract_strided_slice %get3A_50 {offsets = [0], sizes = [1], strides = [1]} : vector<16xi32> to vector<1xi32>
      %squeeze3A = vector.extract %slice3A[0] : i32 from vector<1xi32>
      %mul3A_51 = arith.constant 16 : i32
      %mul3A_52 = arith.muli %scan3A_46, %mul3A_51 : i32
      %add3A_53 = arith.constant 0 : i32
      %add3A_54 = arith.addi %mul3A_52, %add3A_53 : i32
      %dma_start3A_55 = arith.constant 0 : i32
      %dma_start3A_56 = tpu.memref_slice %arg9[%add3A_54, %dma_start3A_55] : memref<256x64xf32, #tpu.memory_space<vmem>> -> memref<1x64xf32, #tpu.memory_space<vmem>>
      %dma_start3A_57 = arith.constant 0 : i32
      %dma_start3A_58 = tpu.memref_slice %arg4[%squeeze3A, %dma_start3A_57] : memref<100000x64xf32, #tpu.memory_space<hbm>> -> memref<1x64xf32, #tpu.memory_space<hbm>>
      %dma_start3A_59 = arith.constant 0 : i32
      %dma_start3A_60 = tpu.memref_slice %arg9[%add3A_54, %dma_start3A_59] : memref<256x64xf32, #tpu.memory_space<vmem>> -> memref<1x64xf32, #tpu.memory_space<vmem>>
      %dma_start3A_61 = arith.constant 0 : i32
      %dma_start3A_62 = tpu.memref_slice %arg4[%squeeze3A, %dma_start3A_61] : memref<100000x64xf32, #tpu.memory_space<hbm>> -> memref<1x64xf32, #tpu.memory_space<hbm>>
      tpu.enqueue_dma source(%dma_start3A_62 : memref<1x64xf32, #tpu.memory_space<hbm>>) target(%dma_start3A_60 : memref<1x64xf32, #tpu.memory_space<vmem>>) target_semaphore(%arg12 : memref<!tpu.dma_semaphore, #tpu.memory_space<semaphore_mem>>)
      %slice3A_63 = vector.extract_strided_slice %get3A_50 {offsets = [1], sizes = [1], strides = [1]} : vector<16xi32> to vector<1xi32>
      %squeeze3A_64 = vector.extract %slice3A_63[0] : i32 from vector<1xi32>
      %mul3A_65 = arith.constant 16 : i32
      %mul3A_66 = arith.muli %scan3A_46, %mul3A_65 : i32
      %add3A_67 = arith.constant 1 : i32
      %add3A_68 = arith.addi %mul3A_66, %add3A_67 : i32
      %dma_start3A_69 = arith.constant 0 : i32
      %dma_start3A_70 = tpu.memref_slice %arg9[%add3A_68, %dma_start3A_69] : memref<256x64xf32, #tpu.memory_space<vmem>> -> memref<1x64xf32, #tpu.memory_space<vmem>>
      %dma_start3A_71 = arith.constant 0 : i32
      %dma_start3A_72 = tpu.memref_slice %arg4[%squeeze3A_64, %dma_start3A_71] : memref<100000x64xf32, #tpu.memory_space<hbm>> -> memref<1x64xf32, #tpu.memory_space<hbm>>
      %dma_start3A_73 = arith.constant 0 : i32
      %dma_start3A_74 = tpu.memref_slice %arg9[%add3A_68, %dma_start3A_73] : memref<256x64xf32, #tpu.memory_space<vmem>> -> memref<1x64xf32, #tpu.memory_space<vmem>>
      %dma_start3A_75 = arith.constant 0 : i32
      %dma_start3A_76 = tpu.memref_slice %arg4[%squeeze3A_64, %dma_start3A_75] : memref<100000x64xf32, #tpu.memory_space<hbm>> -> memref<1x64xf32, #tpu.memory_space<hbm>>
      tpu.enqueue_dma source(%dma_start3A_76 : memref<1x64xf32, #tpu.memory_space<hbm>>) target(%dma_start3A_74 : memref<1x64xf32, #tpu.memory_space<vmem>>) target_semaphore(%arg12 : memref<!tpu.dma_semaphore, #tpu.memory_space<semaphore_mem>>)
      %slice3A_77 = vector.extract_strided_slice %get3A_50 {offsets = [2], sizes = [1], strides = [1]} : vector<16xi32> to vector<1xi32>
      %squeeze3A_78 = vector.extract %slice3A_77[0] : i32 from vector<1xi32>
      %mul3A_79 = arith.constant 16 : i32
      %mul3A_80 = arith.muli %scan3A_46, %mul3A_79 : i32
      %add3A_81 = arith.constant 2 : i32
      %add3A_82 = arith.addi %mul3A_80, %add3A_81 : i32
      %dma_start3A_83 = arith.constant 0 : i32
      %dma_start3A_84 = tpu.memref_slice %arg9[%add3A_82, %dma_start3A_83] : memref<256x64xf32, #tpu.memory_space<vmem>> -> memref<1x64xf32, #tpu.memory_space<vmem>>
      %dma_start3A_85 = arith.constant 0 : i32
      %dma_start3A_86 = tpu.memref_slice %arg4[%squeeze3A_78, %dma_start3A_85] : memref<100000x64xf32, #tpu.memory_space<hbm>> -> memref<1x64xf32, #tpu.memory_space<hbm>>
      %dma_start3A_87 = arith.constant 0 : i32
      %dma_start3A_88 = tpu.memref_slice %arg9[%add3A_82, %dma_start3A_87] : memref<256x64xf32, #tpu.memory_space<vmem>> -> memref<1x64xf32, #tpu.memory_space<vmem>>
      %dma_start3A_89 = arith.constant 0 : i32
      %dma_start3A_90 = tpu.memref_slice %arg4[%squeeze3A_78, %dma_start3A_89] : memref<100000x64xf32, #tpu.memory_space<hbm>> -> memref<1x64xf32, #tpu.memory_space<hbm>>
      tpu.enqueue_dma source(%dma_start3A_90 : memref<1x64xf32, #tpu.memory_space<hbm>>) target(%dma_start3A_88 : memref<1x64xf32, #tpu.memory_space<vmem>>) target_semaphore(%arg12 : memref<!tpu.dma_semaphore, #tpu.memory_space<semaphore_mem>>)
      %slice3A_91 = vector.extract_strided_slice %get3A_50 {offsets = [3], sizes = [1], strides = [1]} : vector<16xi32> to vector<1xi32>
      %squeeze3A_92 = vector.extract %slice3A_91[0] : i32 from vector<1xi32>
      %mul3A_93 = arith.constant 16 : i32
      %mul3A_94 = arith.muli %scan3A_46, %mul3A_93 : i32
      %add3A_95 = arith.constant 3 : i32
      %add3A_96 = arith.addi %mul3A_94, %add3A_95 : i32
      %dma_start3A_97 = arith.constant 0 : i32
      %dma_start3A_98 = tpu.memref_slice %arg9[%add3A_96, %dma_start3A_97] : memref<256x64xf32, #tpu.memory_space<vmem>> -> memref<1x64xf32, #tpu.memory_space<vmem>>
      %dma_start3A_99 = arith.constant 0 : i32
      %dma_start3A_100 = tpu.memref_slice %arg4[%squeeze3A_92, %dma_start3A_99] : memref<100000x64xf32, #tpu.memory_space<hbm>> -> memref<1x64xf32, #tpu.memory_space<hbm>>
      %dma_start3A_101 = arith.constant 0 : i32
      %dma_start3A_102 = tpu.memref_slice %arg9[%add3A_96, %dma_start3A_101] : memref<256x64xf32, #tpu.memory_space<vmem>> -> memref<1x64xf32, #tpu.memory_space<vmem>>
      %dma_start3A_103 = arith.constant 0 : i32
      %dma_start3A_104 = tpu.memref_slice %arg4[%squeeze3A_92, %dma_start3A_103] : memref<100000x64xf32, #tpu.memory_space<hbm>> -> memref<1x64xf32, #tpu.memory_space<hbm>>
      tpu.enqueue_dma source(%dma_start3A_104 : memref<1x64xf32, #tpu.memory_space<hbm>>) target(%dma_start3A_102 : memref<1x64xf32, #tpu.memory_space<vmem>>) target_semaphore(%arg12 : memref<!tpu.dma_semaphore, #tpu.memory_space<semaphore_mem>>)
      %slice3A_105 = vector.extract_strided_slice %get3A_50 {offsets = [4], sizes = [1], strides = [1]} : vector<16xi32> to vector<1xi32>
      %squeeze3A_106 = vector.extract %slice3A_105[0] : i32 from vector<1xi32>
      %mul3A_107 = arith.constant 16 : i32
      %mul3A_108 = arith.muli %scan3A_46, %mul3A_107 : i32
      %add3A_109 = arith.constant 4 : i32
      %add3A_110 = arith.addi %mul3A_108, %add3A_109 : i32
      %dma_start3A_111 = arith.constant 0 : i32
      %dma_start3A_112 = tpu.memref_slice %arg9[%add3A_110, %dma_start3A_111] : memref<256x64xf32, #tpu.memory_space<vmem>> -> memref<1x64xf32, #tpu.memory_space<vmem>>
      %dma_start3A_113 = arith.constant 0 : i32
      %dma_start3A_114 = tpu.memref_slice %arg4[%squeeze3A_106, %dma_start3A_113] : memref<100000x64xf32, #tpu.memory_space<hbm>> -> memref<1x64xf32, #tpu.memory_space<hbm>>
      %dma_start3A_115 = arith.constant 0 : i32
      %dma_start3A_116 = tpu.memref_slice %arg9[%add3A_110, %dma_start3A_115] : memref<256x64xf32, #tpu.memory_space<vmem>> -> memref<1x64xf32, #tpu.memory_space<vmem>>
      %dma_start3A_117 = arith.constant 0 : i32
      %dma_start3A_118 = tpu.memref_slice %arg4[%squeeze3A_106, %dma_start3A_117] : memref<100000x64xf32, #tpu.memory_space<hbm>> -> memref<1x64xf32, #tpu.memory_space<hbm>>
      tpu.enqueue_dma source(%dma_start3A_118 : memref<1x64xf32, #tpu.memory_space<hbm>>) target(%dma_start3A_116 : memref<1x64xf32, #tpu.memory_space<vmem>>) target_semaphore(%arg12 : memref<!tpu.dma_semaphore, #tpu.memory_space<semaphore_mem>>)
      %slice3A_119 = vector.extract_strided_slice %get3A_50 {offsets = [5], sizes = [1], strides = [1]} : vector<16xi32> to vector<1xi32>
      %squeeze3A_120 = vector.extract %slice3A_119[0] : i32 from vector<1xi32>
      %mul3A_121 = arith.constant 16 : i32
      %mul3A_122 = arith.muli %scan3A_46, %mul3A_121 : i32
      %add3A_123 = arith.constant 5 : i32
      %add3A_124 = arith.addi %mul3A_122, %add3A_123 : i32
      %dma_start3A_125 = arith.constant 0 : i32
      %dma_start3A_126 = tpu.memref_slice %arg9[%add3A_124, %dma_start3A_125] : memref<256x64xf32, #tpu.memory_space<vmem>> -> memref<1x64xf32, #tpu.memory_space<vmem>>
      %dma_start3A_127 = arith.constant 0 : i32
      %dma_start3A_128 = tpu.memref_slice %arg4[%squeeze3A_120, %dma_start3A_127] : memref<100000x64xf32, #tpu.memory_space<hbm>> -> memref<1x64xf32, #tpu.memory_space<hbm>>
      %dma_start3A_129 = arith.constant 0 : i32
      %dma_start3A_130 = tpu.memref_slice %arg9[%add3A_124, %dma_start3A_129] : memref<256x64xf32, #tpu.memory_space<vmem>> -> memref<1x64xf32, #tpu.memory_space<vmem>>
      %dma_start3A_131 = arith.constant 0 : i32
      %dma_start3A_132 = tpu.memref_slice %arg4[%squeeze3A_120, %dma_start3A_131] : memref<100000x64xf32, #tpu.memory_space<hbm>> -> memref<1x64xf32, #tpu.memory_space<hbm>>
      tpu.enqueue_dma source(%dma_start3A_132 : memref<1x64xf32, #tpu.memory_space<hbm>>) target(%dma_start3A_130 : memref<1x64xf32, #tpu.memory_space<vmem>>) target_semaphore(%arg12 : memref<!tpu.dma_semaphore, #tpu.memory_space<semaphore_mem>>)
      %slice3A_133 = vector.extract_strided_slice %get3A_50 {offsets = [6], sizes = [1], strides = [1]} : vector<16xi32> to vector<1xi32>
      %squeeze3A_134 = vector.extract %slice3A_133[0] : i32 from vector<1xi32>
      %mul3A_135 = arith.constant 16 : i32
      %mul3A_136 = arith.muli %scan3A_46, %mul3A_135 : i32
      %add3A_137 = arith.constant 6 : i32
      %add3A_138 = arith.addi %mul3A_136, %add3A_137 : i32
      %dma_start3A_139 = arith.constant 0 : i32
      %dma_start3A_140 = tpu.memref_slice %arg9[%add3A_138, %dma_start3A_139] : memref<256x64xf32, #tpu.memory_space<vmem>> -> memref<1x64xf32, #tpu.memory_space<vmem>>
      %dma_start3A_141 = arith.constant 0 : i32
      %dma_start3A_142 = tpu.memref_slice %arg4[%squeeze3A_134, %dma_start3A_141] : memref<100000x64xf32, #tpu.memory_space<hbm>> -> memref<1x64xf32, #tpu.memory_space<hbm>>
      %dma_start3A_143 = arith.constant 0 : i32
      %dma_start3A_144 = tpu.memref_slice %arg9[%add3A_138, %dma_start3A_143] : memref<256x64xf32, #tpu.memory_space<vmem>> -> memref<1x64xf32, #tpu.memory_space<vmem>>
      %dma_start3A_145 = arith.constant 0 : i32
      %dma_start3A_146 = tpu.memref_slice %arg4[%squeeze3A_134, %dma_start3A_145] : memref<100000x64xf32, #tpu.memory_space<hbm>> -> memref<1x64xf32, #tpu.memory_space<hbm>>
      tpu.enqueue_dma source(%dma_start3A_146 : memref<1x64xf32, #tpu.memory_space<hbm>>) target(%dma_start3A_144 : memref<1x64xf32, #tpu.memory_space<vmem>>) target_semaphore(%arg12 : memref<!tpu.dma_semaphore, #tpu.memory_space<semaphore_mem>>)
      %slice3A_147 = vector.extract_strided_slice %get3A_50 {offsets = [7], sizes = [1], strides = [1]} : vector<16xi32> to vector<1xi32>
      %squeeze3A_148 = vector.extract %slice3A_147[0] : i32 from vector<1xi32>
      %mul3A_149 = arith.constant 16 : i32
      %mul3A_150 = arith.muli %scan3A_46, %mul3A_149 : i32
      %add3A_151 = arith.constant 7 : i32
      %add3A_152 = arith.addi %mul3A_150, %add3A_151 : i32
      %dma_start3A_153 = arith.constant 0 : i32
      %dma_start3A_154 = tpu.memref_slice %arg9[%add3A_152, %dma_start3A_153] : memref<256x64xf32, #tpu.memory_space<vmem>> -> memref<1x64xf32, #tpu.memory_space<vmem>>
      %dma_start3A_155 = arith.constant 0 : i32
      %dma_start3A_156 = tpu.memref_slice %arg4[%squeeze3A_148, %dma_start3A_155] : memref<100000x64xf32, #tpu.memory_space<hbm>> -> memref<1x64xf32, #tpu.memory_space<hbm>>
      %dma_start3A_157 = arith.constant 0 : i32
      %dma_start3A_158 = tpu.memref_slice %arg9[%add3A_152, %dma_start3A_157] : memref<256x64xf32, #tpu.memory_space<vmem>> -> memref<1x64xf32, #tpu.memory_space<vmem>>
      %dma_start3A_159 = arith.constant 0 : i32
      %dma_start3A_160 = tpu.memref_slice %arg4[%squeeze3A_148, %dma_start3A_159] : memref<100000x64xf32, #tpu.memory_space<hbm>> -> memref<1x64xf32, #tpu.memory_space<hbm>>
      tpu.enqueue_dma source(%dma_start3A_160 : memref<1x64xf32, #tpu.memory_space<hbm>>) target(%dma_start3A_158 : memref<1x64xf32, #tpu.memory_space<vmem>>) target_semaphore(%arg12 : memref<!tpu.dma_semaphore, #tpu.memory_space<semaphore_mem>>)
      %slice3A_161 = vector.extract_strided_slice %get3A_50 {offsets = [8], sizes = [1], strides = [1]} : vector<16xi32> to vector<1xi32>
      %squeeze3A_162 = vector.extract %slice3A_161[0] : i32 from vector<1xi32>
      %mul3A_163 = arith.constant 16 : i32
      %mul3A_164 = arith.muli %scan3A_46, %mul3A_163 : i32
      %add3A_165 = arith.constant 8 : i32
      %add3A_166 = arith.addi %mul3A_164, %add3A_165 : i32
      %dma_start3A_167 = arith.constant 0 : i32
      %dma_start3A_168 = tpu.memref_slice %arg9[%add3A_166, %dma_start3A_167] : memref<256x64xf32, #tpu.memory_space<vmem>> -> memref<1x64xf32, #tpu.memory_space<vmem>>
      %dma_start3A_169 = arith.constant 0 : i32
      %dma_start3A_170 = tpu.memref_slice %arg4[%squeeze3A_162, %dma_start3A_169] : memref<100000x64xf32, #tpu.memory_space<hbm>> -> memref<1x64xf32, #tpu.memory_space<hbm>>
      %dma_start3A_171 = arith.constant 0 : i32
      %dma_start3A_172 = tpu.memref_slice %arg9[%add3A_166, %dma_start3A_171] : memref<256x64xf32, #tpu.memory_space<vmem>> -> memref<1x64xf32, #tpu.memory_space<vmem>>
      %dma_start3A_173 = arith.constant 0 : i32
      %dma_start3A_174 = tpu.memref_slice %arg4[%squeeze3A_162, %dma_start3A_173] : memref<100000x64xf32, #tpu.memory_space<hbm>> -> memref<1x64xf32, #tpu.memory_space<hbm>>
      tpu.enqueue_dma source(%dma_start3A_174 : memref<1x64xf32, #tpu.memory_space<hbm>>) target(%dma_start3A_172 : memref<1x64xf32, #tpu.memory_space<vmem>>) target_semaphore(%arg12 : memref<!tpu.dma_semaphore, #tpu.memory_space<semaphore_mem>>)
      %slice3A_175 = vector.extract_strided_slice %get3A_50 {offsets = [9], sizes = [1], strides = [1]} : vector<16xi32> to vector<1xi32>
      %squeeze3A_176 = vector.extract %slice3A_175[0] : i32 from vector<1xi32>
      %mul3A_177 = arith.constant 16 : i32
      %mul3A_178 = arith.muli %scan3A_46, %mul3A_177 : i32
      %add3A_179 = arith.constant 9 : i32
      %add3A_180 = arith.addi %mul3A_178, %add3A_179 : i32
      %dma_start3A_181 = arith.constant 0 : i32
      %dma_start3A_182 = tpu.memref_slice %arg9[%add3A_180, %dma_start3A_181] : memref<256x64xf32, #tpu.memory_space<vmem>> -> memref<1x64xf32, #tpu.memory_space<vmem>>
      %dma_start3A_183 = arith.constant 0 : i32
      %dma_start3A_184 = tpu.memref_slice %arg4[%squeeze3A_176, %dma_start3A_183] : memref<100000x64xf32, #tpu.memory_space<hbm>> -> memref<1x64xf32, #tpu.memory_space<hbm>>
      %dma_start3A_185 = arith.constant 0 : i32
      %dma_start3A_186 = tpu.memref_slice %arg9[%add3A_180, %dma_start3A_185] : memref<256x64xf32, #tpu.memory_space<vmem>> -> memref<1x64xf32, #tpu.memory_space<vmem>>
      %dma_start3A_187 = arith.constant 0 : i32
      %dma_start3A_188 = tpu.memref_slice %arg4[%squeeze3A_176, %dma_start3A_187] : memref<100000x64xf32, #tpu.memory_space<hbm>> -> memref<1x64xf32, #tpu.memory_space<hbm>>
      tpu.enqueue_dma source(%dma_start3A_188 : memref<1x64xf32, #tpu.memory_space<hbm>>) target(%dma_start3A_186 : memref<1x64xf32, #tpu.memory_space<vmem>>) target_semaphore(%arg12 : memref<!tpu.dma_semaphore, #tpu.memory_space<semaphore_mem>>)
      %slice3A_189 = vector.extract_strided_slice %get3A_50 {offsets = [10], sizes = [1], strides = [1]} : vector<16xi32> to vector<1xi32>
      %squeeze3A_190 = vector.extract %slice3A_189[0] : i32 from vector<1xi32>
      %mul3A_191 = arith.constant 16 : i32
      %mul3A_192 = arith.muli %scan3A_46, %mul3A_191 : i32
      %add3A_193 = arith.constant 10 : i32
      %add3A_194 = arith.addi %mul3A_192, %add3A_193 : i32
      %dma_start3A_195 = arith.constant 0 : i32
      %dma_start3A_196 = tpu.memref_slice %arg9[%add3A_194, %dma_start3A_195] : memref<256x64xf32, #tpu.memory_space<vmem>> -> memref<1x64xf32, #tpu.memory_space<vmem>>
      %dma_start3A_197 = arith.constant 0 : i32
      %dma_start3A_198 = tpu.memref_slice %arg4[%squeeze3A_190, %dma_start3A_197] : memref<100000x64xf32, #tpu.memory_space<hbm>> -> memref<1x64xf32, #tpu.memory_space<hbm>>
      %dma_start3A_199 = arith.constant 0 : i32
      %dma_start3A_200 = tpu.memref_slice %arg9[%add3A_194, %dma_start3A_199] : memref<256x64xf32, #tpu.memory_space<vmem>> -> memref<1x64xf32, #tpu.memory_space<vmem>>
      %dma_start3A_201 = arith.constant 0 : i32
      %dma_start3A_202 = tpu.memref_slice %arg4[%squeeze3A_190, %dma_start3A_201] : memref<100000x64xf32, #tpu.memory_space<hbm>> -> memref<1x64xf32, #tpu.memory_space<hbm>>
      tpu.enqueue_dma source(%dma_start3A_202 : memref<1x64xf32, #tpu.memory_space<hbm>>) target(%dma_start3A_200 : memref<1x64xf32, #tpu.memory_space<vmem>>) target_semaphore(%arg12 : memref<!tpu.dma_semaphore, #tpu.memory_space<semaphore_mem>>)
      %slice3A_203 = vector.extract_strided_slice %get3A_50 {offsets = [11], sizes = [1], strides = [1]} : vector<16xi32> to vector<1xi32>
      %squeeze3A_204 = vector.extract %slice3A_203[0] : i32 from vector<1xi32>
      %mul3A_205 = arith.constant 16 : i32
      %mul3A_206 = arith.muli %scan3A_46, %mul3A_205 : i32
      %add3A_207 = arith.constant 11 : i32
      %add3A_208 = arith.addi %mul3A_206, %add3A_207 : i32
      %dma_start3A_209 = arith.constant 0 : i32
      %dma_start3A_210 = tpu.memref_slice %arg9[%add3A_208, %dma_start3A_209] : memref<256x64xf32, #tpu.memory_space<vmem>> -> memref<1x64xf32, #tpu.memory_space<vmem>>
      %dma_start3A_211 = arith.constant 0 : i32
      %dma_start3A_212 = tpu.memref_slice %arg4[%squeeze3A_204, %dma_start3A_211] : memref<100000x64xf32, #tpu.memory_space<hbm>> -> memref<1x64xf32, #tpu.memory_space<hbm>>
      %dma_start3A_213 = arith.constant 0 : i32
      %dma_start3A_214 = tpu.memref_slice %arg9[%add3A_208, %dma_start3A_213] : memref<256x64xf32, #tpu.memory_space<vmem>> -> memref<1x64xf32, #tpu.memory_space<vmem>>
      %dma_start3A_215 = arith.constant 0 : i32
      %dma_start3A_216 = tpu.memref_slice %arg4[%squeeze3A_204, %dma_start3A_215] : memref<100000x64xf32, #tpu.memory_space<hbm>> -> memref<1x64xf32, #tpu.memory_space<hbm>>
      tpu.enqueue_dma source(%dma_start3A_216 : memref<1x64xf32, #tpu.memory_space<hbm>>) target(%dma_start3A_214 : memref<1x64xf32, #tpu.memory_space<vmem>>) target_semaphore(%arg12 : memref<!tpu.dma_semaphore, #tpu.memory_space<semaphore_mem>>)
      %slice3A_217 = vector.extract_strided_slice %get3A_50 {offsets = [12], sizes = [1], strides = [1]} : vector<16xi32> to vector<1xi32>
      %squeeze3A_218 = vector.extract %slice3A_217[0] : i32 from vector<1xi32>
      %mul3A_219 = arith.constant 16 : i32
      %mul3A_220 = arith.muli %scan3A_46, %mul3A_219 : i32
      %add3A_221 = arith.constant 12 : i32
      %add3A_222 = arith.addi %mul3A_220, %add3A_221 : i32
      %dma_start3A_223 = arith.constant 0 : i32
      %dma_start3A_224 = tpu.memref_slice %arg9[%add3A_222, %dma_start3A_223] : memref<256x64xf32, #tpu.memory_space<vmem>> -> memref<1x64xf32, #tpu.memory_space<vmem>>
      %dma_start3A_225 = arith.constant 0 : i32
      %dma_start3A_226 = tpu.memref_slice %arg4[%squeeze3A_218, %dma_start3A_225] : memref<100000x64xf32, #tpu.memory_space<hbm>> -> memref<1x64xf32, #tpu.memory_space<hbm>>
      %dma_start3A_227 = arith.constant 0 : i32
      %dma_start3A_228 = tpu.memref_slice %arg9[%add3A_222, %dma_start3A_227] : memref<256x64xf32, #tpu.memory_space<vmem>> -> memref<1x64xf32, #tpu.memory_space<vmem>>
      %dma_start3A_229 = arith.constant 0 : i32
      %dma_start3A_230 = tpu.memref_slice %arg4[%squeeze3A_218, %dma_start3A_229] : memref<100000x64xf32, #tpu.memory_space<hbm>> -> memref<1x64xf32, #tpu.memory_space<hbm>>
      tpu.enqueue_dma source(%dma_start3A_230 : memref<1x64xf32, #tpu.memory_space<hbm>>) target(%dma_start3A_228 : memref<1x64xf32, #tpu.memory_space<vmem>>) target_semaphore(%arg12 : memref<!tpu.dma_semaphore, #tpu.memory_space<semaphore_mem>>)
      %slice3A_231 = vector.extract_strided_slice %get3A_50 {offsets = [13], sizes = [1], strides = [1]} : vector<16xi32> to vector<1xi32>
      %squeeze3A_232 = vector.extract %slice3A_231[0] : i32 from vector<1xi32>
      %mul3A_233 = arith.constant 16 : i32
      %mul3A_234 = arith.muli %scan3A_46, %mul3A_233 : i32
      %add3A_235 = arith.constant 13 : i32
      %add3A_236 = arith.addi %mul3A_234, %add3A_235 : i32
      %dma_start3A_237 = arith.constant 0 : i32
      %dma_start3A_238 = tpu.memref_slice %arg9[%add3A_236, %dma_start3A_237] : memref<256x64xf32, #tpu.memory_space<vmem>> -> memref<1x64xf32, #tpu.memory_space<vmem>>
      %dma_start3A_239 = arith.constant 0 : i32
      %dma_start3A_240 = tpu.memref_slice %arg4[%squeeze3A_232, %dma_start3A_239] : memref<100000x64xf32, #tpu.memory_space<hbm>> -> memref<1x64xf32, #tpu.memory_space<hbm>>
      %dma_start3A_241 = arith.constant 0 : i32
      %dma_start3A_242 = tpu.memref_slice %arg9[%add3A_236, %dma_start3A_241] : memref<256x64xf32, #tpu.memory_space<vmem>> -> memref<1x64xf32, #tpu.memory_space<vmem>>
      %dma_start3A_243 = arith.constant 0 : i32
      %dma_start3A_244 = tpu.memref_slice %arg4[%squeeze3A_232, %dma_start3A_243] : memref<100000x64xf32, #tpu.memory_space<hbm>> -> memref<1x64xf32, #tpu.memory_space<hbm>>
      tpu.enqueue_dma source(%dma_start3A_244 : memref<1x64xf32, #tpu.memory_space<hbm>>) target(%dma_start3A_242 : memref<1x64xf32, #tpu.memory_space<vmem>>) target_semaphore(%arg12 : memref<!tpu.dma_semaphore, #tpu.memory_space<semaphore_mem>>)
      %slice3A_245 = vector.extract_strided_slice %get3A_50 {offsets = [14], sizes = [1], strides = [1]} : vector<16xi32> to vector<1xi32>
      %squeeze3A_246 = vector.extract %slice3A_245[0] : i32 from vector<1xi32>
      %mul3A_247 = arith.constant 16 : i32
      %mul3A_248 = arith.muli %scan3A_46, %mul3A_247 : i32
      %add3A_249 = arith.constant 14 : i32
      %add3A_250 = arith.addi %mul3A_248, %add3A_249 : i32
      %dma_start3A_251 = arith.constant 0 : i32
      %dma_start3A_252 = tpu.memref_slice %arg9[%add3A_250, %dma_start3A_251] : memref<256x64xf32, #tpu.memory_space<vmem>> -> memref<1x64xf32, #tpu.memory_space<vmem>>
      %dma_start3A_253 = arith.constant 0 : i32
      %dma_start3A_254 = tpu.memref_slice %arg4[%squeeze3A_246, %dma_start3A_253] : memref<100000x64xf32, #tpu.memory_space<hbm>> -> memref<1x64xf32, #tpu.memory_space<hbm>>
      %dma_start3A_255 = arith.constant 0 : i32
      %dma_start3A_256 = tpu.memref_slice %arg9[%add3A_250, %dma_start3A_255] : memref<256x64xf32, #tpu.memory_space<vmem>> -> memref<1x64xf32, #tpu.memory_space<vmem>>
      %dma_start3A_257 = arith.constant 0 : i32
      %dma_start3A_258 = tpu.memref_slice %arg4[%squeeze3A_246, %dma_start3A_257] : memref<100000x64xf32, #tpu.memory_space<hbm>> -> memref<1x64xf32, #tpu.memory_space<hbm>>
      tpu.enqueue_dma source(%dma_start3A_258 : memref<1x64xf32, #tpu.memory_space<hbm>>) target(%dma_start3A_256 : memref<1x64xf32, #tpu.memory_space<vmem>>) target_semaphore(%arg12 : memref<!tpu.dma_semaphore, #tpu.memory_space<semaphore_mem>>)
      %slice3A_259 = vector.extract_strided_slice %get3A_50 {offsets = [15], sizes = [1], strides = [1]} : vector<16xi32> to vector<1xi32>
      %squeeze3A_260 = vector.extract %slice3A_259[0] : i32 from vector<1xi32>
      %mul3A_261 = arith.constant 16 : i32
      %mul3A_262 = arith.muli %scan3A_46, %mul3A_261 : i32
      %add3A_263 = arith.constant 15 : i32
      %add3A_264 = arith.addi %mul3A_262, %add3A_263 : i32
      %dma_start3A_265 = arith.constant 0 : i32
      %dma_start3A_266 = tpu.memref_slice %arg9[%add3A_264, %dma_start3A_265] : memref<256x64xf32, #tpu.memory_space<vmem>> -> memref<1x64xf32, #tpu.memory_space<vmem>>
      %dma_start3A_267 = arith.constant 0 : i32
      %dma_start3A_268 = tpu.memref_slice %arg4[%squeeze3A_260, %dma_start3A_267] : memref<100000x64xf32, #tpu.memory_space<hbm>> -> memref<1x64xf32, #tpu.memory_space<hbm>>
      %dma_start3A_269 = arith.constant 0 : i32
      %dma_start3A_270 = tpu.memref_slice %arg9[%add3A_264, %dma_start3A_269] : memref<256x64xf32, #tpu.memory_space<vmem>> -> memref<1x64xf32, #tpu.memory_space<vmem>>
      %dma_start3A_271 = arith.constant 0 : i32
      %dma_start3A_272 = tpu.memref_slice %arg4[%squeeze3A_260, %dma_start3A_271] : memref<100000x64xf32, #tpu.memory_space<hbm>> -> memref<1x64xf32, #tpu.memory_space<hbm>>
      tpu.enqueue_dma source(%dma_start3A_272 : memref<1x64xf32, #tpu.memory_space<hbm>>) target(%dma_start3A_270 : memref<1x64xf32, #tpu.memory_space<vmem>>) target_semaphore(%arg12 : memref<!tpu.dma_semaphore, #tpu.memory_space<semaphore_mem>>)
    }
    %scan3A_10 = arith.constant 16 : i32
    %dma_wait3A = arith.constant 0 : i32
    %dma_wait3A_11 = arith.constant 0 : i32
    %dma_wait3A_12 = tpu.memref_slice %arg4[%dma_wait3A, %dma_wait3A_11] : memref<100000x64xf32, #tpu.memory_space<hbm>> -> memref<256x64xf32, #tpu.memory_space<hbm>>
    %dma_wait3A_13 = arith.constant 0 : i32
    %dma_wait3A_14 = arith.constant 0 : i32
    %dma_wait3A_15 = tpu.memref_slice %arg4[%dma_wait3A_13, %dma_wait3A_14] : memref<100000x64xf32, #tpu.memory_space<hbm>> -> memref<256x64xf32, #tpu.memory_space<hbm>>
    tpu.wait_dma2 semaphore(%arg12 : memref<!tpu.dma_semaphore, #tpu.memory_space<semaphore_mem>>) src(%dma_wait3A_15 : memref<256x64xf32, #tpu.memory_space<hbm>>) dst(%arg9 : memref<256x64xf32, #tpu.memory_space<vmem>>)
    %dma_wait3A_16 = arith.constant 0 : i32
    %dma_wait3A_17 = tpu.memref_slice %arg3[%mul3A_2, %dma_wait3A_16] : memref<8192x64xf32, #tpu.memory_space<hbm>> -> memref<256x64xf32, #tpu.memory_space<hbm>>
    %dma_wait3A_18 = arith.constant 0 : i32
    %dma_wait3A_19 = tpu.memref_slice %arg3[%mul3A_2, %dma_wait3A_18] : memref<8192x64xf32, #tpu.memory_space<hbm>> -> memref<256x64xf32, #tpu.memory_space<hbm>>
    tpu.wait_dma2 semaphore(%arg13 : memref<!tpu.dma_semaphore, #tpu.memory_space<semaphore_mem>>) src(%dma_wait3A_19 : memref<256x64xf32, #tpu.memory_space<hbm>>) dst(%arg10 : memref<256x64xf32, #tpu.memory_space<vmem>>)
    %broadcast_in_dim3A = arith.constant 0.000000e+00 : f32
    %broadcast_in_dim3A_20 = vector.broadcast %broadcast_in_dim3A : f32 to vector<16xf32>
    %scan3A_21 = arith.constant 0 : i32
    %scan3A_22 = arith.constant 256 : i32
    %scan3A_23 = arith.addi %scan3A_21, %scan3A_22 : i32
    %scan3A_24 = arith.constant 1 : i32
    %scan3A_25:3 = scf.for %scan3A_46 = %scan3A_21 to %scan3A_23 step %scan3A_24 iter_args(%scan3A_47 = %broadcast_in_dim3A_20, %scan3A_48 = %broadcast_in_dim3A_20, %scan3A_49 = %broadcast_in_dim3A_20) -> (vector<16xf32>, vector<16xf32>, vector<16xf32>)  : i32 {
      %get3A = arith.index_cast %scan3A_46 : i32 to index
      %get3A_50 = arith.constant 0 : index
      %get3A_51 = tpu.vector_load %arg9[%get3A, %get3A_50] {strides = array<i32>} : memref<256x64xf32, #tpu.memory_space<vmem>>, vector<1x16xf32>,
      %get3A_52 = vector.shape_cast %get3A_51 : vector<1x16xf32> to vector<16xf32>
      %get3A_53 = arith.index_cast %scan3A_46 : i32 to index
      %get3A_54 = arith.constant 0 : index
      %get3A_55 = tpu.vector_load %arg10[%get3A_53, %get3A_54] {strides = array<i32>} : memref<256x64xf32, #tpu.memory_space<vmem>>, vector<1x16xf32>,
      %get3A_56 = vector.shape_cast %get3A_55 : vector<1x16xf32> to vector<16xf32>
      %mul3A_57 = arith.mulf %get3A_52, %get3A_52 : vector<16xf32>
      %add3A_58 = arith.addf %scan3A_47, %mul3A_57 : vector<16xf32>
      %mul3A_59 = arith.mulf %get3A_52, %get3A_56 : vector<16xf32>
      %add3A_60 = arith.addf %scan3A_48, %mul3A_59 : vector<16xf32>
      %mul3A_61 = arith.mulf %get3A_56, %get3A_56 : vector<16xf32>
      %add3A_62 = arith.addf %scan3A_49, %mul3A_61 : vector<16xf32>
      %get3A_63 = arith.index_cast %scan3A_46 : i32 to index
      %get3A_64 = arith.constant 16 : index
      %get3A_65 = tpu.vector_load %arg9[%get3A_63, %get3A_64] {strides = array<i32>} : memref<256x64xf32, #tpu.memory_space<vmem>>, vector<1x16xf32>,
      %get3A_66 = vector.shape_cast %get3A_65 : vector<1x16xf32> to vector<16xf32>
      %get3A_67 = arith.index_cast %scan3A_46 : i32 to index
      %get3A_68 = arith.constant 16 : index
      %get3A_69 = tpu.vector_load %arg10[%get3A_67, %get3A_68] {strides = array<i32>} : memref<256x64xf32, #tpu.memory_space<vmem>>, vector<1x16xf32>,
      %get3A_70 = vector.shape_cast %get3A_69 : vector<1x16xf32> to vector<16xf32>
      %mul3A_71 = arith.mulf %get3A_66, %get3A_66 : vector<16xf32>
      %add3A_72 = arith.addf %add3A_58, %mul3A_71 : vector<16xf32>
      %mul3A_73 = arith.mulf %get3A_66, %get3A_70 : vector<16xf32>
      %add3A_74 = arith.addf %add3A_60, %mul3A_73 : vector<16xf32>
      %mul3A_75 = arith.mulf %get3A_70, %get3A_70 : vector<16xf32>
      %add3A_76 = arith.addf %add3A_62, %mul3A_75 : vector<16xf32>
      %get3A_77 = arith.index_cast %scan3A_46 : i32 to index
      %get3A_78 = arith.constant 32 : index
      %get3A_79 = tpu.vector_load %arg9[%get3A_77, %get3A_78] {strides = array<i32>} : memref<256x64xf32, #tpu.memory_space<vmem>>, vector<1x16xf32>,
      %get3A_80 = vector.shape_cast %get3A_79 : vector<1x16xf32> to vector<16xf32>
      %get3A_81 = arith.index_cast %scan3A_46 : i32 to index
      %get3A_82 = arith.constant 32 : index
      %get3A_83 = tpu.vector_load %arg10[%get3A_81, %get3A_82] {strides = array<i32>} : memref<256x64xf32, #tpu.memory_space<vmem>>, vector<1x16xf32>,
      %get3A_84 = vector.shape_cast %get3A_83 : vector<1x16xf32> to vector<16xf32>
      %mul3A_85 = arith.mulf %get3A_80, %get3A_80 : vector<16xf32>
      %add3A_86 = arith.addf %add3A_72, %mul3A_85 : vector<16xf32>
      %mul3A_87 = arith.mulf %get3A_80, %get3A_84 : vector<16xf32>
      %add3A_88 = arith.addf %add3A_74, %mul3A_87 : vector<16xf32>
      %mul3A_89 = arith.mulf %get3A_84, %get3A_84 : vector<16xf32>
      %add3A_90 = arith.addf %add3A_76, %mul3A_89 : vector<16xf32>
      %get3A_91 = arith.index_cast %scan3A_46 : i32 to index
      %get3A_92 = arith.constant 48 : index
      %get3A_93 = tpu.vector_load %arg9[%get3A_91, %get3A_92] {strides = array<i32>} : memref<256x64xf32, #tpu.memory_space<vmem>>, vector<1x16xf32>,
      %get3A_94 = vector.shape_cast %get3A_93 : vector<1x16xf32> to vector<16xf32>
      %get3A_95 = arith.index_cast %scan3A_46 : i32 to index
      %get3A_96 = arith.constant 48 : index
      %get3A_97 = tpu.vector_load %arg10[%get3A_95, %get3A_96] {strides = array<i32>} : memref<256x64xf32, #tpu.memory_space<vmem>>, vector<1x16xf32>,
      %get3A_98 = vector.shape_cast %get3A_97 : vector<1x16xf32> to vector<16xf32>
      %mul3A_99 = arith.mulf %get3A_94, %get3A_94 : vector<16xf32>
      %add3A_100 = arith.addf %add3A_86, %mul3A_99 : vector<16xf32>
      %mul3A_101 = arith.mulf %get3A_94, %get3A_98 : vector<16xf32>
      %add3A_102 = arith.addf %add3A_88, %mul3A_101 : vector<16xf32>
      %mul3A_103 = arith.mulf %get3A_98, %get3A_98 : vector<16xf32>
      %add3A_104 = arith.addf %add3A_90, %mul3A_103 : vector<16xf32>
      scf.yield %add3A_100, %add3A_102, %add3A_104 : vector<16xf32>, vector<16xf32>, vector<16xf32>
    }
    %scan3A_26 = arith.constant 256 : i32
    %swap3A = arith.constant 0 : i32
    %swap3A_27 = arith.index_cast %swap3A : i32 to index
    %swap3A_28 = arith.constant 0 : index
    %swap3A_29 = tpu.vector_load %arg11[%swap3A_27, %swap3A_28] {strides = array<i32>} : memref<3x16xf32, #tpu.memory_space<vmem>>, vector<1x16xf32>,
    %swap3A_30 = vector.shape_cast %swap3A_29 : vector<1x16xf32> to vector<16xf32>
    %swap3A_31 = vector.shape_cast %scan3A_25#0 : vector<16xf32> to vector<1x16xf32>
    tpu.vector_store %arg11[%swap3A_27, %swap3A_28], %swap3A_31 {strides = array<i32>} : memref<3x16xf32, #tpu.memory_space<vmem>>, vector<1x16xf32>,
    %swap3A_32 = arith.constant 1 : i32
    %swap3A_33 = arith.index_cast %swap3A_32 : i32 to index
    %swap3A_34 = arith.constant 0 : index
    %swap3A_35 = tpu.vector_load %arg11[%swap3A_33, %swap3A_34] {strides = array<i32>} : memref<3x16xf32, #tpu.memory_space<vmem>>, vector<1x16xf32>,
    %swap3A_36 = vector.shape_cast %swap3A_35 : vector<1x16xf32> to vector<16xf32>
    %swap3A_37 = vector.shape_cast %scan3A_25#1 : vector<16xf32> to vector<1x16xf32>
    tpu.vector_store %arg11[%swap3A_33, %swap3A_34], %swap3A_37 {strides = array<i32>} : memref<3x16xf32, #tpu.memory_space<vmem>>, vector<1x16xf32>,
    %swap3A_38 = arith.constant 2 : i32
    %swap3A_39 = arith.index_cast %swap3A_38 : i32 to index
    %swap3A_40 = arith.constant 0 : index
    %swap3A_41 = tpu.vector_load %arg11[%swap3A_39, %swap3A_40] {strides = array<i32>} : memref<3x16xf32, #tpu.memory_space<vmem>>, vector<1x16xf32>,
    %swap3A_42 = vector.shape_cast %swap3A_41 : vector<1x16xf32> to vector<16xf32>
    %swap3A_43 = vector.shape_cast %scan3A_25#2 : vector<16xf32> to vector<1x16xf32>
    tpu.vector_store %arg11[%swap3A_39, %swap3A_40], %swap3A_43 {strides = array<i32>} : memref<3x16xf32, #tpu.memory_space<vmem>>, vector<1x16xf32>,
    %run_scoped3A = arith.constant 0 : i32
    "tpu.region"() ({
      %run_scoped3A_46 = tpu.sem_alloc : memref<!tpu.dma_semaphore, #tpu.memory_space<semaphore_mem>>
      %dma_start3A_47 = arith.constant 0 : i32
      %dma_start3A_48 = tpu.memref_slice %arg11[%run_scoped3A, %dma_start3A_47] : memref<3x16xf32, #tpu.memory_space<vmem>> -> memref<1x16xf32, #tpu.memory_space<vmem>>
      %dma_start3A_49 = tpu.memref_squeeze %dma_start3A_48 : memref<1x16xf32, #tpu.memory_space<vmem>> -> memref<16xf32, #tpu.memory_space<vmem>>
      %dma_start3A_50 = arith.constant 0 : i32
      %dma_start3A_51 = tpu.memref_slice %arg5[%add3A, %dma_start3A_50] : memref<32x16xf32, #tpu.memory_space<hbm>> -> memref<1x16xf32, #tpu.memory_space<hbm>>
      %dma_start3A_52 = tpu.memref_squeeze %dma_start3A_51 : memref<1x16xf32, #tpu.memory_space<hbm>> -> memref<16xf32, #tpu.memory_space<hbm>>
      %dma_start3A_53 = arith.constant 0 : i32
      %dma_start3A_54 = tpu.memref_slice %arg5[%add3A, %dma_start3A_53] : memref<32x16xf32, #tpu.memory_space<hbm>> -> memref<1x16xf32, #tpu.memory_space<hbm>>
      %dma_start3A_55 = tpu.memref_squeeze %dma_start3A_54 : memref<1x16xf32, #tpu.memory_space<hbm>> -> memref<16xf32, #tpu.memory_space<hbm>>
      %dma_start3A_56 = arith.constant 0 : i32
      %dma_start3A_57 = tpu.memref_slice %arg11[%run_scoped3A, %dma_start3A_56] : memref<3x16xf32, #tpu.memory_space<vmem>> -> memref<1x16xf32, #tpu.memory_space<vmem>>
      %dma_start3A_58 = tpu.memref_squeeze %dma_start3A_57 : memref<1x16xf32, #tpu.memory_space<vmem>> -> memref<16xf32, #tpu.memory_space<vmem>>
      tpu.enqueue_dma source(%dma_start3A_58 : memref<16xf32, #tpu.memory_space<vmem>>) target(%dma_start3A_55 : memref<16xf32, #tpu.memory_space<hbm>>) target_semaphore(%run_scoped3A_46 : memref<!tpu.dma_semaphore, #tpu.memory_space<semaphore_mem>>)
      %dma_wait3A_59 = arith.constant 0 : i32
      %dma_wait3A_60 = tpu.memref_slice %arg11[%run_scoped3A, %dma_wait3A_59] : memref<3x16xf32, #tpu.memory_space<vmem>> -> memref<1x16xf32, #tpu.memory_space<vmem>>
      %dma_wait3A_61 = tpu.memref_squeeze %dma_wait3A_60 : memref<1x16xf32, #tpu.memory_space<vmem>> -> memref<16xf32, #tpu.memory_space<vmem>>
      %dma_wait3A_62 = arith.constant 0 : i32
      %dma_wait3A_63 = tpu.memref_slice %arg5[%add3A, %dma_wait3A_62] : memref<32x16xf32, #tpu.memory_space<hbm>> -> memref<1x16xf32, #tpu.memory_space<hbm>>
      %dma_wait3A_64 = tpu.memref_squeeze %dma_wait3A_63 : memref<1x16xf32, #tpu.memory_space<hbm>> -> memref<16xf32, #tpu.memory_space<hbm>>
      %dma_wait3A_65 = arith.constant 0 : i32
      %dma_wait3A_66 = tpu.memref_slice %arg5[%add3A, %dma_wait3A_65] : memref<32x16xf32, #tpu.memory_space<hbm>> -> memref<1x16xf32, #tpu.memory_space<hbm>>
      %dma_wait3A_67 = tpu.memref_squeeze %dma_wait3A_66 : memref<1x16xf32, #tpu.memory_space<hbm>> -> memref<16xf32, #tpu.memory_space<hbm>>
      %dma_wait3A_68 = arith.constant 0 : i32
      %dma_wait3A_69 = tpu.memref_slice %arg11[%run_scoped3A, %dma_wait3A_68] : memref<3x16xf32, #tpu.memory_space<vmem>> -> memref<1x16xf32, #tpu.memory_space<vmem>>
      %dma_wait3A_70 = tpu.memref_squeeze %dma_wait3A_69 : memref<1x16xf32, #tpu.memory_space<vmem>> -> memref<16xf32, #tpu.memory_space<vmem>>
      tpu.wait_dma2 semaphore(%run_scoped3A_46 : memref<!tpu.dma_semaphore, #tpu.memory_space<semaphore_mem>>) src(%dma_wait3A_70 : memref<16xf32, #tpu.memory_space<vmem>>) dst(%dma_wait3A_67 : memref<16xf32, #tpu.memory_space<hbm>>)
      tpu.yield
    }) : () -> ()
    %run_scoped3A_44 = arith.constant 1 : i32
    "tpu.region"() ({
      %run_scoped3A_46 = tpu.sem_alloc : memref<!tpu.dma_semaphore, #tpu.memory_space<semaphore_mem>>
      %dma_start3A_47 = arith.constant 0 : i32
      %dma_start3A_48 = tpu.memref_slice %arg11[%run_scoped3A_44, %dma_start3A_47] : memref<3x16xf32, #tpu.memory_space<vmem>> -> memref<1x16xf32, #tpu.memory_space<vmem>>
      %dma_start3A_49 = tpu.memref_squeeze %dma_start3A_48 : memref<1x16xf32, #tpu.memory_space<vmem>> -> memref<16xf32, #tpu.memory_space<vmem>>
      %dma_start3A_50 = arith.constant 0 : i32
      %dma_start3A_51 = tpu.memref_slice %arg6[%add3A, %dma_start3A_50] : memref<32x16xf32, #tpu.memory_space<hbm>> -> memref<1x16xf32, #tpu.memory_space<hbm>>
      %dma_start3A_52 = tpu.memref_squeeze %dma_start3A_51 : memref<1x16xf32, #tpu.memory_space<hbm>> -> memref<16xf32, #tpu.memory_space<hbm>>
      %dma_start3A_53 = arith.constant 0 : i32
      %dma_start3A_54 = tpu.memref_slice %arg6[%add3A, %dma_start3A_53] : memref<32x16xf32, #tpu.memory_space<hbm>> -> memref<1x16xf32, #tpu.memory_space<hbm>>
      %dma_start3A_55 = tpu.memref_squeeze %dma_start3A_54 : memref<1x16xf32, #tpu.memory_space<hbm>> -> memref<16xf32, #tpu.memory_space<hbm>>
      %dma_start3A_56 = arith.constant 0 : i32
      %dma_start3A_57 = tpu.memref_slice %arg11[%run_scoped3A_44, %dma_start3A_56] : memref<3x16xf32, #tpu.memory_space<vmem>> -> memref<1x16xf32, #tpu.memory_space<vmem>>
      %dma_start3A_58 = tpu.memref_squeeze %dma_start3A_57 : memref<1x16xf32, #tpu.memory_space<vmem>> -> memref<16xf32, #tpu.memory_space<vmem>>
      tpu.enqueue_dma source(%dma_start3A_58 : memref<16xf32, #tpu.memory_space<vmem>>) target(%dma_start3A_55 : memref<16xf32, #tpu.memory_space<hbm>>) target_semaphore(%run_scoped3A_46 : memref<!tpu.dma_semaphore, #tpu.memory_space<semaphore_mem>>)
      %dma_wait3A_59 = arith.constant 0 : i32
      %dma_wait3A_60 = tpu.memref_slice %arg11[%run_scoped3A_44, %dma_wait3A_59] : memref<3x16xf32, #tpu.memory_space<vmem>> -> memref<1x16xf32, #tpu.memory_space<vmem>>
      %dma_wait3A_61 = tpu.memref_squeeze %dma_wait3A_60 : memref<1x16xf32, #tpu.memory_space<vmem>> -> memref<16xf32, #tpu.memory_space<vmem>>
      %dma_wait3A_62 = arith.constant 0 : i32
      %dma_wait3A_63 = tpu.memref_slice %arg6[%add3A, %dma_wait3A_62] : memref<32x16xf32, #tpu.memory_space<hbm>> -> memref<1x16xf32, #tpu.memory_space<hbm>>
      %dma_wait3A_64 = tpu.memref_squeeze %dma_wait3A_63 : memref<1x16xf32, #tpu.memory_space<hbm>> -> memref<16xf32, #tpu.memory_space<hbm>>
      %dma_wait3A_65 = arith.constant 0 : i32
      %dma_wait3A_66 = tpu.memref_slice %arg6[%add3A, %dma_wait3A_65] : memref<32x16xf32, #tpu.memory_space<hbm>> -> memref<1x16xf32, #tpu.memory_space<hbm>>
      %dma_wait3A_67 = tpu.memref_squeeze %dma_wait3A_66 : memref<1x16xf32, #tpu.memory_space<hbm>> -> memref<16xf32, #tpu.memory_space<hbm>>
      %dma_wait3A_68 = arith.constant 0 : i32
      %dma_wait3A_69 = tpu.memref_slice %arg11[%run_scoped3A_44, %dma_wait3A_68] : memref<3x16xf32, #tpu.memory_space<vmem>> -> memref<1x16xf32, #tpu.memory_space<vmem>>
      %dma_wait3A_70 = tpu.memref_squeeze %dma_wait3A_69 : memref<1x16xf32, #tpu.memory_space<vmem>> -> memref<16xf32, #tpu.memory_space<vmem>>
      tpu.wait_dma2 semaphore(%run_scoped3A_46 : memref<!tpu.dma_semaphore, #tpu.memory_space<semaphore_mem>>) src(%dma_wait3A_70 : memref<16xf32, #tpu.memory_space<vmem>>) dst(%dma_wait3A_67 : memref<16xf32, #tpu.memory_space<hbm>>)
      tpu.yield
    }) : () -> ()
    %run_scoped3A_45 = arith.constant 2 : i32
    "tpu.region"() ({
      %run_scoped3A_46 = tpu.sem_alloc : memref<!tpu.dma_semaphore, #tpu.memory_space<semaphore_mem>>
      %dma_start3A_47 = arith.constant 0 : i32
      %dma_start3A_48 = tpu.memref_slice %arg11[%run_scoped3A_45, %dma_start3A_47] : memref<3x16xf32, #tpu.memory_space<vmem>> -> memref<1x16xf32, #tpu.memory_space<vmem>>
      %dma_start3A_49 = tpu.memref_squeeze %dma_start3A_48 : memref<1x16xf32, #tpu.memory_space<vmem>> -> memref<16xf32, #tpu.memory_space<vmem>>
      %dma_start3A_50 = arith.constant 0 : i32
      %dma_start3A_51 = tpu.memref_slice %arg7[%add3A, %dma_start3A_50] : memref<32x16xf32, #tpu.memory_space<hbm>> -> memref<1x16xf32, #tpu.memory_space<hbm>>
      %dma_start3A_52 = tpu.memref_squeeze %dma_start3A_51 : memref<1x16xf32, #tpu.memory_space<hbm>> -> memref<16xf32, #tpu.memory_space<hbm>>
      %dma_start3A_53 = arith.constant 0 : i32
      %dma_start3A_54 = tpu.memref_slice %arg7[%add3A, %dma_start3A_53] : memref<32x16xf32, #tpu.memory_space<hbm>> -> memref<1x16xf32, #tpu.memory_space<hbm>>
      %dma_start3A_55 = tpu.memref_squeeze %dma_start3A_54 : memref<1x16xf32, #tpu.memory_space<hbm>> -> memref<16xf32, #tpu.memory_space<hbm>>
      %dma_start3A_56 = arith.constant 0 : i32
      %dma_start3A_57 = tpu.memref_slice %arg11[%run_scoped3A_45, %dma_start3A_56] : memref<3x16xf32, #tpu.memory_space<vmem>> -> memref<1x16xf32, #tpu.memory_space<vmem>>
      %dma_start3A_58 = tpu.memref_squeeze %dma_start3A_57 : memref<1x16xf32, #tpu.memory_space<vmem>> -> memref<16xf32, #tpu.memory_space<vmem>>
      tpu.enqueue_dma source(%dma_start3A_58 : memref<16xf32, #tpu.memory_space<vmem>>) target(%dma_start3A_55 : memref<16xf32, #tpu.memory_space<hbm>>) target_semaphore(%run_scoped3A_46 : memref<!tpu.dma_semaphore, #tpu.memory_space<semaphore_mem>>)
      %dma_wait3A_59 = arith.constant 0 : i32
      %dma_wait3A_60 = tpu.memref_slice %arg11[%run_scoped3A_45, %dma_wait3A_59] : memref<3x16xf32, #tpu.memory_space<vmem>> -> memref<1x16xf32, #tpu.memory_space<vmem>>
      %dma_wait3A_61 = tpu.memref_squeeze %dma_wait3A_60 : memref<1x16xf32, #tpu.memory_space<vmem>> -> memref<16xf32, #tpu.memory_space<vmem>>
      %dma_wait3A_62 = arith.constant 0 : i32
      %dma_wait3A_63 = tpu.memref_slice %arg7[%add3A, %dma_wait3A_62] : memref<32x16xf32, #tpu.memory_space<hbm>> -> memref<1x16xf32, #tpu.memory_space<hbm>>
      %dma_wait3A_64 = tpu.memref_squeeze %dma_wait3A_63 : memref<1x16xf32, #tpu.memory_space<hbm>> -> memref<16xf32, #tpu.memory_space<hbm>>
      %dma_wait3A_65 = arith.constant 0 : i32
      %dma_wait3A_66 = tpu.memref_slice %arg7[%add3A, %dma_wait3A_65] : memref<32x16xf32, #tpu.memory_space<hbm>> -> memref<1x16xf32, #tpu.memory_space<hbm>>
      %dma_wait3A_67 = tpu.memref_squeeze %dma_wait3A_66 : memref<1x16xf32, #tpu.memory_space<hbm>> -> memref<16xf32, #tpu.memory_space<hbm>>
      %dma_wait3A_68 = arith.constant 0 : i32
      %dma_wait3A_69 = tpu.memref_slice %arg11[%run_scoped3A_45, %dma_wait3A_68] : memref<3x16xf32, #tpu.memory_space<vmem>> -> memref<1x16xf32, #tpu.memory_space<vmem>>
      %dma_wait3A_70 = tpu.memref_squeeze %dma_wait3A_69 : memref<1x16xf32, #tpu.memory_space<vmem>> -> memref<16xf32, #tpu.memory_space<vmem>>
      tpu.wait_dma2 semaphore(%run_scoped3A_46 : memref<!tpu.dma_semaphore, #tpu.memory_space<semaphore_mem>>) src(%dma_wait3A_70 : memref<16xf32, #tpu.memory_space<vmem>>) dst(%dma_wait3A_67 : memref<16xf32, #tpu.memory_space<hbm>>)
      tpu.yield
    }) : () -> ()
    return
  }
}

module attributes {stable_mosaic.version = 14 : i64} {
  func.func @_combine_body(%arg0: memref<32x16xf32, #tpu.memory_space<vmem>>, %arg1: memref<32x16xf32, #tpu.memory_space<vmem>>, %arg2: memref<32x16xf32, #tpu.memory_space<vmem>>, %arg3: memref<1x1xf32, #tpu.memory_space<smem>>) attributes {dimension_semantics = [], scalar_prefetch = 0 : i64, scratch_operands = 0 : i64, tpu.core_type = #tpu.core_type<tc>} {
    %get3A = arith.constant 0 : index
    %get3A_0 = arith.constant 0 : index
    %get3A_1 = vector.load %arg0[%get3A, %get3A_0] : memref<32x16xf32, #tpu.memory_space<vmem>>, vector<32x16xf32>
    %reduce_sum3A = vector.shape_cast %get3A_1 : vector<32x16xf32> to vector<1x32x16xf32>
    %reduce_sum3A_2 = arith.constant dense<0.000000e+00> : vector<1xf32>
    %reduce_sum3A_3 = vector.multi_reduction <add>, %reduce_sum3A, %reduce_sum3A_2 [1, 2] : vector<1x32x16xf32> to vector<1xf32>
    %reduce_sum3A_4 = vector.shape_cast %reduce_sum3A_3 : vector<1xf32> to vector<1x1x1xf32>
    %reduce_sum3A_5 = vector.extract %reduce_sum3A_4[0, 0, 0] : f32 from vector<1x1x1xf32>
    %get3A_6 = arith.constant 0 : index
    %get3A_7 = arith.constant 0 : index
    %get3A_8 = vector.load %arg1[%get3A_6, %get3A_7] : memref<32x16xf32, #tpu.memory_space<vmem>>, vector<32x16xf32>
    %reduce_sum3A_9 = vector.shape_cast %get3A_8 : vector<32x16xf32> to vector<1x32x16xf32>
    %reduce_sum3A_10 = arith.constant dense<0.000000e+00> : vector<1xf32>
    %reduce_sum3A_11 = vector.multi_reduction <add>, %reduce_sum3A_9, %reduce_sum3A_10 [1, 2] : vector<1x32x16xf32> to vector<1xf32>
    %reduce_sum3A_12 = vector.shape_cast %reduce_sum3A_11 : vector<1xf32> to vector<1x1x1xf32>
    %reduce_sum3A_13 = vector.extract %reduce_sum3A_12[0, 0, 0] : f32 from vector<1x1x1xf32>
    %get3A_14 = arith.constant 0 : index
    %get3A_15 = arith.constant 0 : index
    %get3A_16 = vector.load %arg2[%get3A_14, %get3A_15] : memref<32x16xf32, #tpu.memory_space<vmem>>, vector<32x16xf32>
    %reduce_sum3A_17 = vector.shape_cast %get3A_16 : vector<32x16xf32> to vector<1x32x16xf32>
    %reduce_sum3A_18 = arith.constant dense<0.000000e+00> : vector<1xf32>
    %reduce_sum3A_19 = vector.multi_reduction <add>, %reduce_sum3A_17, %reduce_sum3A_18 [1, 2] : vector<1x32x16xf32> to vector<1xf32>
    %reduce_sum3A_20 = vector.shape_cast %reduce_sum3A_19 : vector<1xf32> to vector<1x1x1xf32>
    %reduce_sum3A_21 = vector.extract %reduce_sum3A_20[0, 0, 0] : f32 from vector<1x1x1xf32>
    %mul3A = arith.constant 2.000000e+00 : f32
    %mul3A_22 = arith.mulf %mul3A, %reduce_sum3A_21 : f32
    %div3A = arith.divf %reduce_sum3A_21, %reduce_sum3A_5 : f32
    %sqrt3A = math.sqrt %div3A : f32
    %mul3A_23 = arith.constant 2.000000e+00 : f32
    %mul3A_24 = arith.mulf %mul3A_23, %sqrt3A : f32
    %mul3A_25 = arith.mulf %mul3A_24, %reduce_sum3A_13 : f32
    %sub3A = arith.subf %mul3A_22, %mul3A_25 : f32
    %swap3A = arith.constant 0 : index
    %swap3A_26 = arith.constant 0 : index
    %swap3A_27 = memref.load %arg3[%swap3A, %swap3A_26] : memref<1x1xf32, #tpu.memory_space<smem>>
    memref.store %sub3A, %arg3[%swap3A, %swap3A_26] : memref<1x1xf32, #tpu.memory_space<smem>>
    return
  }
}

</mosaic_0001>

<sc_bundles>
// kernel: kernel.4.cloned.1.call-start
scs
__scs_entry_jumppad:
0x0: {  	(pc) =	sbr.rel $0x88, $3  }
0x1: {  	(tag) =	ssettag $0x0;
	lr =	simm.s32 $0x1  }
0x2: {  	[smem:$0x3F9D] =	sst lr;
	_ =	strace $0xD0000000  }
0x3: {  	_ = 	snop  }
0x4: {  	_ = 	snop  }
0x5: {  	_ = 	snop  }
0x6: {  	_ = 	snop  }
0x7: {  	_ = 	snop  }
__scs_overlays_trampoline_lowered:
0x8: {  	[smem:$0x3FAC] =	sst s0  }
0x9: {  	[smem:$0x3FAD] =	sst s1  }
0xa: {  	[smem:$0x3FAE] =	sst s2  }
0xb: {  	[smem:$0x3FAF] =	sst s3  }
0xc: {  	[smem:$0x3FB0] =	sst s4  }
0xd: {  	[smem:$0x3FB1] =	sst s5  }
0xe: {  	[smem:$0x3FB2] =	sst s6  }
0xf: {  	[smem:$0x3FB3] =	sst s7  }
0x10: {  	[smem:$0x3FB4] =	sst s8  }
0x11: {  	[smem:$0x3FB5] =	sst s9;
	s0 =	simm.s32 @!p0 $0x0  }
0x12: {  	s1 =	sld [smem:$0x3F9B];
	s0 =	simm.s32 @p0 $0x1  }
0x13: {  	[smem:$0x3FB6] =	sst s0;
	s0 =	simm.s32 @!p1 $0x0  }
0x14: {  	s2 =	sld [smem:$0x3F9A];
	s0 =	simm.s32 @p1 $0x1  }
0x15: {  	[smem:$0x3FB7] =	sst s0;
	s0 =	simm.s32 @!p2 $0x0  }
0x16: {  	s3 =	sld [smem:$0x3FDB];
	s0 =	simm.s32 @p2 $0x1  }
0x17: {  	s4 =	simm.s32 $0x1BF5;
	[smem:$0x3FB9] =	sst s0  }
0x18: {  	s0 =	sld [smem:$0x3F9C];
	_ =	swait.ge [sflag:s4], $0x0  }
0x19: {  	s7 =	sld [smem:$0x3F9D]  }
0x1a: {  	s8 =	sadd.s32 $0xFFFFE003, lr  }
0x1b: {  	s9 =	sadd.s32 $0xFFFFFEF7, lr;
	s5 =	simm.s32 $0xFFFFFFFF;
	p2 =	slt.u32 s8, $0xFFFFF086  }
0x1c: {  	p1 =	slt.u32 s9, $0xF7A;
	s5 =	simm.s32 @!p2 $0x0  }
0x1d: {  	s5 =	simm.s32 @p1 $0x1;
	p0 =	seq.s32 s7, s2  }
0x1e: {  	s7 =	smul.u32 @!p0 $0xF7A, s2;
	p2 =	seq.s32 @!p0 s5, $0x0  }
0x1f: {  	s9 =	smul.u32 $0xF7A, s1;
	s8 =	simm.s32 @!p0 $0x1BF5;
	p2 =	por !p2, p0  }
0x20: {  	[sflag:s8] =	ssyncset.s32 @!p0 $0xFFFFF086;
	s6 =	sadd.s32 @!p0 s3, s7;
	s7 =	simm.s32 @!p0 $0x108  }
0x21: {  	s3 =	sadd.s32 s3, s9;
	s6 =	sadd.s32 @!p0 $0x88, s6;
	s7 =	simm.s32 @p2 $0x1082  }
0x22: {  	[simem:s7], [sflag:s8] =	dma.local @!p0 [hbm:s6], $0xF7A  }
0x23: {  	s9 =	sor.u32 $0xD0000000, s2;
	s6 =	simm.s32 $0x108;
	_ =	swait.ge @!p0 [sflag:s8], $0x0  }
0x24: {  	s3 =	sadd.s32 $0x88, s3;
	s6 =	simm.s32 @!p1 $0x1082;
	[sflag:s4] =	ssyncset.s32 $0xFFFFF086  }
0x25: {  	[simem:s6], [sflag:s4] =	dma.local [hbm:s3], $0xF7A  }
0x26: {  	[smem:$0x3F9D] =	sst s1;
	(tag) =	ssettag s2;
	_ =	strace s9  }
0x27: {  	s1 =	sld [smem:$0x3FAD]  }
0x28: {  	s2 =	sld [smem:$0x3FAE]  }
0x29: {  	s4 =	sld [smem:$0x3FB0]  }
0x2a: {  	p0 =	seq.s32 s5, $0x0;
	s5 =	sld [smem:$0x3FB1]  }
0x2b: {  	s6 =	sld [smem:$0x3FB2]  }
0x2c: {  	s7 =	sld [smem:$0x3FB3]  }
0x2d: {  	s3 =	simm.s32 $0x108;
	s8 =	sld [smem:$0x3FB4]  }
0x2e: {  	s3 =	simm.s32 @!p0 $0x1082;
	s9 =	sld [smem:$0x3FB5]  }
0x2f: {  	lr =	sadd.s32 s0, s3;
	s0 =	sld [smem:$0x3FAC]  }
0x30: {  	s3 =	sld [smem:$0x3FAF]  }
0x31: {  	[smem:$0x3FB8] =	sst s10  }
0x32: {  	s10 =	sld [smem:$0x3FB6];
	_ =	sdelay $0x3  }
0x33: {  	p0 =	seq.s32 s10, $0x1;
	s10 =	sld [smem:$0x3FB8];
	_ =	sdelay $0x3  }
0x34: {  	[smem:$0x3FB8] =	sst s10  }
0x35: {  	s10 =	sld [smem:$0x3FB7];
	_ =	sdelay $0x3  }
0x36: {  	p1 =	seq.s32 s10, $0x1;
	s10 =	sld [smem:$0x3FB8];
	_ =	sdelay $0x3  }
0x37: {  	[smem:$0x3FB8] =	sst s10  }
0x38: {  	s10 =	sld [smem:$0x3FB9]  }
0x39: {  	_ = 	snop;
	(pc) =	sbr.ind lr, $3  }
0x3a: {  	_ = 	snop  }
0x3b: {  	_ = 	snop  }
0x3c: {  	p2 =	seq.s32 s10, $0x1;
	s10 =	sld [smem:$0x3FB8]  }
0x3d: {  	_ =	shalt  }
0x3e: {  	_ =	shalt  }
0x3f: {  	_ =	shalt  }
0x40: {  	_ =	shalt  }
0x41: {  	_ =	shalt  }
0x42: {  	_ =	shalt  }
0x43: {  	_ =	shalt  }
0x44: {  	_ =	shalt  }
0x45: {  	_ =	shalt  }
0x46: {  	_ =	shalt  }
0x47: {  	_ =	shalt  }
0x48: {  	_ =	shalt  }
0x49: {  	_ =	shalt  }
0x4a: {  	_ =	shalt  }
0x4b: {  	_ =	shalt  }
0x4c: {  	_ =	shalt  }
0x4d: {  	_ =	shalt  }
0x4e: {  	_ =	shalt  }
0x4f: {  	_ =	shalt  }
0x50: {  	_ =	shalt  }
0x51: {  	_ =	shalt  }
0x52: {  	_ =	shalt  }
0x53: {  	_ =	shalt  }
0x54: {  	_ =	shalt  }
0x55: {  	_ =	shalt  }
0x56: {  	_ =	shalt  }
0x57: {  	_ =	shalt  }
0x58: {  	_ =	shalt  }
0x59: {  	_ =	shalt  }
0x5a: {  	_ =	shalt  }
0x5b: {  	_ =	shalt  }
0x5c: {  	_ =	shalt  }
0x5d: {  	_ =	shalt  }
0x5e: {  	_ =	shalt  }
0x5f: {  	_ =	shalt  }
0x60: {  	_ =	shalt  }
0x61: {  	_ =	shalt  }
0x62: {  	_ =	shalt  }
0x63: {  	_ =	shalt  }
0x64: {  	_ =	shalt  }
0x65: {  	_ =	shalt  }
0x66: {  	_ =	shalt  }
0x67: {  	_ =	shalt  }
0x68: {  	_ =	shalt  }
0x69: {  	_ =	shalt  }
0x6a: {  	_ =	shalt  }
0x6b: {  	_ =	shalt  }
0x6c: {  	_ =	shalt  }
0x6d: {  	_ =	shalt  }
0x6e: {  	_ =	shalt  }
0x6f: {  	_ =	shalt  }
0x70: {  	_ =	shalt  }
0x71: {  	_ =	shalt  }
0x72: {  	_ =	shalt  }
0x73: {  	_ =	shalt  }
0x74: {  	_ =	shalt  }
0x75: {  	_ =	shalt  }
0x76: {  	_ =	shalt  }
0x77: {  	_ =	shalt  }
0x78: {  	_ =	shalt  }
0x79: {  	_ =	shalt  }
0x7a: {  	_ =	shalt  }
0x7b: {  	_ =	shalt  }
0x7c: {  	_ =	shalt  }
0x7d: {  	_ =	shalt  }
0x7e: {  	_ =	shalt  }
0x7f: {  	_ =	shalt  }
0x80: {  	_ =	shalt  }
0x81: {  	_ =	shalt  }
0x82: {  	_ =	shalt  }
0x83: {  	_ =	shalt  }
0x84: {  	_ =	shalt  }
0x85: {  	_ =	shalt  }
0x86: {  	_ =	shalt  }
0x87: {  	_ =	shalt  }
.Lfunc_end0:
.L_simem_size_0:
called_computation_lowered:
.L_overlay_start_0:
0x88: {  	s2 =	sld [smem:$0x3FD9]  }
0x89: {  	s3 =	sld [smem:$0x3FFE];
	_ =	sdelay $0x1  }
0x8a: {  	s1 =	srdreg.scid  }
0x8b: {  	s0 =	sand.u32 $0x1, s1  }
0x8c: {  	s16 =	sshll.u32 s0, $0xA;
	s2 =	sadd.s32 s3, s2  }
0x8d: {  	s2 =	sadd.s32 s2, s16  }
0x8e: {  	[smem:$0x3FC4] =	sst s2  }
0x8f: {  	_ = 	snop  }
0x90: {  	(tm) =	ssettm $0x1  }
0x91: {  	s17 =	sld [smem:$0x3FFB];
	_ =	sdelay $0x3  }
0x92: {  	_ =	strace s17  }
0x93: {  	s2 =	sld [smem:$0x3FFC];
	_ =	sdelay $0x3  }
0x94: {  	_ =	strace s2  }
0x95: {  	s2 =	sld [smem:$0x3FFD];
	_ =	sdelay $0x3  }
0x96: {  	_ =	strace s2  }
0x97: {  	_ =	strace $0x8FFFFFFF  }
0x98: {  	s18 =	sld [smem:$0x3FDB];
	_ =	sdelay $0x1  }
0x99: {  	s19 =	simm.s32 $_scs_section_size  }
0x9a: {  	s4 =	simm.s32 $_size__tile_overlayer_lowered;
	s5 =	simm.s32 $_tile_overlayer_lowered  }
0x9b: {  	s22 =	simm.s32 $0x1BFF;
	s21 =	sshll.u32 s5, $0x1;
	s2 =	sadd.s32 s19, s18  }
0x9c: {  	s6 =	simm.s32 $0x0;
	s20 =	sshll.u32 s4, $0x1;
	s4 =	sadd.s32 s21, s2  }
0x9d: {  	[timem:s6], [sflag:s22] =	dma.local [hbm:s4], s20  }
0x9e: {  	_ =	swait.ge [sflag:s22], s20  }
0x9f: {  	s3 =	ssub.s32 $0x0, s20;
	[sflag:s22] =	ssyncset.done $0x0  }
0xa0: {  	[sflag:s22] =	ssyncadd.s32 s3;
	_ =	sdelay $0x1  }
0xa1: {  	s23 =	simm.s32 $0x1B8B  }
0xa2: {  	_ =	swait.ge [sflag:s23], $0x1  }
0xa3: {  	[sflag:s23] =	ssyncset.done $0x0  }
0xa4: {  	s25 =	simm.s32 $0x1B8E;
	s24 =	sld [smem:$0x3FFE];
	[sflag:s23] =	ssyncadd.s32 $0xFFFFFFFF  }
0xa5: {  	s26 =	simm.s32 $execute0_lowered;
	[smem:$0x3FD2] =	sst s25  }
0xa6: {  	s4 =	sshll.u32 s26, $0x1;
	_ =	strace $0x80000046;
	[dreg:$0x1] =	wrdreg $0xFFFFFFFF  }
0xa7: {  	s28 =	simm.s32 $_size_execute0_lowered;
	s2 =	sadd.s32 s2, s4;
	[dreg:$0x0] =	wrdreg $0x0  }
0xa8: {  	s4 =	sshll.u32 s28, $0x1;
	[dreg:$0x2] =	wrdreg s2  }
0xa9: {  	[dreg:$0x3] =	wrdreg s4  }
0xaa: {  	[dreg:$0x4] =	wrdreg $0xC0  }
0xab: {  	_ =	task [dreg:s6], $0x5FFFF  }
0xac: {  	[dreg:$0x1] =	wrdreg $0xFFFFFFFF  }
0xad: {  	[dreg:$0x0] =	wrdreg $0x60  }
0xae: {  	[dreg:$0x2] =	wrdreg s24  }
0xaf: {  	[dreg:$0x3] =	wrdreg $0x9  }
0xb0: {  	_ =	task.clear_ibuf [dreg:s6], $0x4FFFF;
	_ =	strace $0x90000046  }
0xb1: {  	s29 =	simm.s32 $0x9;
	_ =	strace $0x80000048  }
0xb2: {  	_ =	swait.ge [sflag:s29], $0x1  }
0xb3: {  	[sflag:s29] =	ssyncadd.s32 $0xFFFFFFFF  }
0xb4: {  	_ =	strace $0x90000048  }
0xb5: {  	_ =	sfence  }
0xb6: {  	s30 =	sld [smem:$0x0];
	_ =	sdelay $0x2  }
0xb7: {  	s31 =	sshll.u32 s1, $0xD;
	s1 =	sshrl.u32 s1, $0x2  }
0xb8: {  	s3 =	sand.u32 $0x4000, s31;
	s1 =	sadd.s32 s1, s30  }
0xb9: {  	s0 =	sor.u32 s3, s0;
	s1 =	sshll.u32 s1, $0x11  }
0xba: {  	s0 =	sor.u32 s1, s0  }
0xbb: {  	s0 =	sadd.s32 $0x8F2B, s0  }
0xbc: {  	[sflag:s0] =	ssyncadd.remote.s32 $0x1  }
0xbd: {  	_ =	sfence.sel $0xFFFF  }
0xbe: {  	[dreg:$0x0] =	wrdreg $0xFFFFFFFF;
	(pc) =	sbr.abs _section_cstart, $3  }
0xbf: {  	[dreg:$0x1] =	wrdreg $0xFFFFFFFF  }
0xc0: {  	_ =	task.clear_ibuf [dreg:s6], $0x2FFFF;
	_ =	strace $0x9FFFFFFF  }
0xc1: {  	(tm) =	ssettm $0x7FFFFFFF  }
tec
execute0_lowered:
.L_overlay_start_1:
0x0: {  	(tag) =	ssettag $0x1  }
0x1: {  	s1 =	srdreg.scid  }
0x2: {  	s0 =	stileid.u32;
	s4 =	rddreg [dreg:$0x0]  }
0x3: {  	s2 =	simm.s32 $0x0;
	s12 =	simm.s32 $0x1;
	s13 =	simm.s32 $0x2  }
0x4: {  	s3 =	sand.u32 $0x1, s1;
	s5 =	sshll.u32 s0, $0x1;
	[smem:$0x7FF] =	sst s2  }
0x5: {  	s17 =	simm.s32 $0x0;
	s5 =	sor.u32 s3, s5;
	_ =	strace $0x80000047  }
0x6: {  	s8 =	ssub.s32 $0x2, s3;
	s3 =	sadd.s32 $0x21200, s4;
	s6 =	sshll.u32 s5, $0x5  }
0x7: {  	s7 =	sshll.u32 s5, $0xC;
	s5 =	sshll.u32 s5, $0x4;
	s10 =	sshrl.u32 s8, $0x1  }
0x8: {  	s6 =	sadd.s32 s6, s4;
	s7 =	sadd.s32 s7, s4;
	s9 =	sadd.s32 s5, s4  }
0x9: {  	s31 =	sadd.s32 $0x1A7C00, s6;
	s5 =	sadd.s32 $0x1200, s7;
	s6 =	sadd.s32 $0x1A8000, s9  }
0xa: {  	s10 =	ssub.s32 s8, s10;
	s7 =	sadd.s32 $0x1A8200, s9;
	s8 =	sadd.s32 $0x1A8400, s9  }
0xb: {  	s9 =	smax.u32 s10, $0x1;
	s10 =	simm.s32 $0x3;
	[dreg:$0x2] =	wrdreg s31  }
.LBB2_1:
0xc: {  	s0 =	rddreg [dreg:$0x2]  }
0xd: {  	[tilespmem:s2], [sflag:$0x3] =	stream.linear.gather [hbm4b:s0+s2], $0x100, $0x38;
	[tilespmem:$0x10300] =	vst v63  }
0xe: {  	_ =	swait.ge [sflag:s10], $0x100  }
0xf: {  	[sflag:s10] =	ssyncset.done $0x0  }
0x10: {  	s31 =	simm.s32 $0x8100;
	[sflag:s10] =	ssyncadd.s32 $0xFFFFFF00  }
0x11: {  	[tilespmem:s31], [sflag:$0x2] =	stream.linear.gather [hbm4b:s5+s2], $0x8000, $0x38;
	[tilespmem:$0x10300] =	vst v63  }
0x12: {  	v0 =	vld [tilespmem:s2+$0x0];
	_ =	sdelay $0x4  }
0x13: {  	v0 =	vshll.u32 v0, $0x4  }
0x14: {  	(v2sf) =	vpush v0, $0x0  }
0x15: {  	(v2sf) =	vpush v0, $0x1  }
0x16: {  	(v2sf) =	vpush v0, $0x2;
	_ =	sdelay $0x1  }
0x17: {  	(v2sf) =	vpush v0, $0x4;
	_ =	sdelay $0x1  }
0x18: {  	(v2sf) =	vpush v0, $0x3  }
0x19: {  	(v2sf) =	vpush v0, $0x5  }
0x1a: {  	s19 =	simm.s32 $0x2000;
	s18 =	simm.s32 $0x0;
	s20 =	simm.s32 $0x0;
	(v2sf) =	vpush v0, $0x6  }
.LBB2_2:
0x1b: {  	p0 =	sne.s32 s19, $0x1E000  }
0x1c: {  	s31 =	sadd.s32 $0x180, s18;
	s24 =	sadd.s32 $0x680, s18;
	s21 =	smov.u32 s19  }
0x1d: {  	s19 =	sadd.s32 $0x2000, s19;
	s28 =	sadd.s32 $0x480, s18;
	s22 =	sadd.s32 $0x700, s18;
	(v2sf) =	vpush v0, $0x7  }
0x1e: {  	s30 =	sadd.s32 $0x380, s18;
	s26 =	sadd.s32 $0x500, s18;
	s23 =	sadd.s32 $0x780, s18  }
0x1f: {  	s1 =	sadd.s32 $0x100, s18;
	s0 =	sadd.s32 $0x300, s18;
	(v2sf) =	vpush v0, $0x8  }
0x20: {  	s11 =	sadd.s32 $0x400, s18;
	s20 =	sadd.s32 $0x10, s20  }
0x21: {  	s14 =	sadd.s32 $0x200, s18;
	s25 =	sadd.s32 $0x600, s18;
	s29 =	spop (v2sf);
	(v2sf) =	vpush v0, $0x9  }
0x22: {  	s15 =	sand.u32 $0x1FFFFFF0, s29;
	s29 =	sadd.s32 $0x580, s18;
	s16 =	spop (v2sf)  }
0x23: {  	s15 =	sadd.s32 s3, s15;
	s16 =	sand.u32 $0x1FFFFFF0, s16;
	s4 =	spop (v2sf);
	(v2sf) =	vpush v0, $0xA  }
0x24: {  	[tilespmem:s1], [sflag:$0x1] =	stream.linear.gather [hbm4b:s15+s2], $0x80, $0x38;
	[tilespmem:$0x10300] =	vst v63  }
0x25: {  	s1 =	sadd.s32 s3, s16;
	s15 =	sadd.s32 $0x280, s18;
	s16 =	spop (v2sf);
	(v2sf) =	vpush v0, $0xB  }
0x26: {  	[tilespmem:s31], [sflag:$0x1] =	stream.linear.gather [hbm4b:s1+s2], $0x80, $0x38;
	[tilespmem:$0x10300] =	vst v63  }
0x27: {  	s1 =	sand.u32 $0x1FFFFFF0, s4;
	s4 =	sand.u32 $0x1FFFFFF0, s16;
	s16 =	spop (v2sf);
	(v2sf) =	vpush v0, $0xC  }
0x28: {  	s1 =	sadd.s32 s3, s1;
	s16 =	sand.u32 $0x1FFFFFF0, s16;
	s31 =	spop (v2sf)  }
0x29: {  	[tilespmem:s14], [sflag:$0x1] =	stream.linear.gather [hbm4b:s1+s2], $0x80, $0x38;
	(v2sf) =	vpush v0, $0xD;
	[tilespmem:$0x10300] =	vst v63  }
0x2a: {  	s1 =	sadd.s32 s3, s16;
	s14 =	sand.u32 $0x1FFFFFF0, s31;
	s16 =	spop (v2sf)  }
0x2b: {  	[tilespmem:s15], [sflag:$0x1] =	stream.linear.gather [hbm4b:s1+s2], $0x80, $0x38;
	(v2sf) =	vpush v0, $0xE;
	[tilespmem:$0x10300] =	vst v63  }
0x2c: {  	s1 =	sadd.s32 s3, s4;
	s4 =	sand.u32 $0x1FFFFFF0, s16;
	s15 =	spop (v2sf)  }
0x2d: {  	[tilespmem:s0], [sflag:$0x1] =	stream.linear.gather [hbm4b:s1+s2], $0x80, $0x38;
	(v2sf) =	vpush v0, $0xF;
	[tilespmem:$0x10300] =	vst v63  }
0x2e: {  	s0 =	sadd.s32 s3, s14;
	s1 =	sand.u32 $0x1FFFFFF0, s15;
	s14 =	spop (v2sf)  }
0x2f: {  	[tilespmem:s30], [sflag:$0x1] =	stream.linear.gather [hbm4b:s0+s2], $0x80, $0x38;
	[tilespmem:$0x10300] =	vst v63  }
0x30: {  	s0 =	sadd.s32 s3, s4;
	s4 =	sand.u32 $0x1FFFFFF0, s14;
	s14 =	spop (v2sf)  }
0x31: {  	[tilespmem:s11], [sflag:$0x1] =	stream.linear.gather [hbm4b:s0+s2], $0x80, $0x38;
	[tilespmem:$0x10300] =	vst v63  }
0x32: {  	s0 =	sadd.s32 s3, s1;
	s1 =	sand.u32 $0x1FFFFFF0, s14;
	s11 =	spop (v2sf)  }
0x33: {  	[tilespmem:s28], [sflag:$0x1] =	stream.linear.gather [hbm4b:s0+s2], $0x80, $0x38;
	[tilespmem:$0x10300] =	vst v63  }
0x34: {  	s0 =	sadd.s32 s3, s4;
	s4 =	sand.u32 $0x1FFFFFF0, s11;
	s11 =	spop (v2sf)  }
0x35: {  	[tilespmem:s26], [sflag:$0x1] =	stream.linear.gather [hbm4b:s0+s2], $0x80, $0x38;
	[tilespmem:$0x10300] =	vst v63  }
0x36: {  	s0 =	sadd.s32 s3, s1;
	s1 =	sand.u32 $0x1FFFFFF0, s11;
	s11 =	spop (v2sf)  }
0x37: {  	[tilespmem:s29], [sflag:$0x1] =	stream.linear.gather [hbm4b:s0+s2], $0x80, $0x38;
	[tilespmem:$0x10300] =	vst v63  }
0x38: {  	s0 =	sadd.s32 s3, s4;
	s4 =	sand.u32 $0x1FFFFFF0, s11;
	s11 =	spop (v2sf)  }
0x39: {  	[tilespmem:s25], [sflag:$0x1] =	stream.linear.gather [hbm4b:s0+s2], $0x80, $0x38;
	[tilespmem:$0x10300] =	vst v63  }
0x3a: {  	s0 =	sadd.s32 s3, s1;
	s1 =	sand.u32 $0x1FFFFFF0, s11;
	s11 =	spop (v2sf)  }
0x3b: {  	[tilespmem:s24], [sflag:$0x1] =	stream.linear.gather [hbm4b:s0+s2], $0x80, $0x38;
	[tilespmem:$0x10300] =	vst v63  }
0x3c: {  	s0 =	sadd.s32 s3, s4;
	s4 =	sand.u32 $0x1FFFFFF0, s11;
	s11 =	spop (v2sf)  }
0x3d: {  	[tilespmem:s22], [sflag:$0x1] =	stream.linear.gather [hbm4b:s0+s2], $0x80, $0x38;
	[tilespmem:$0x10300] =	vst v63  }
0x3e: {  	s0 =	sadd.s32 s3, s1;
	s1 =	sand.u32 $0x1FFFFFF0, s11  }
0x3f: {  	[tilespmem:s23], [sflag:$0x1] =	stream.linear.gather [hbm4b:s0+s2], $0x80, $0x38;
	[tilespmem:$0x10300] =	vst v63  }
0x40: {  	s4 =	sadd.s32 s3, s4;
	s0 =	sadd.s32 $0x800, s18  }
0x41: {  	[tilespmem:s0], [sflag:$0x1] =	stream.linear.gather [hbm4b:s4+s2], $0x80, $0x38;
	[tilespmem:$0x10300] =	vst v63  }
0x42: {  	s1 =	sadd.s32 s3, s1;
	s0 =	sadd.s32 $0x880, s18  }
0x43: {  	[tilespmem:s0], [sflag:$0x1] =	stream.linear.gather [hbm4b:s1+s2], $0x80, $0x38;
	[tilespmem:$0x10300] =	vst v63  }
0x44: {  	v0 =	vld [tilespmem:s20+$0x0];
	_ =	sdelay $0x4  }
0x45: {  	v0 =	vshll.u32 v0, $0x4  }
0x46: {  	(v2sf) =	vpush v0, $0x0  }
0x47: {  	(v2sf) =	vpush v0, $0x1  }
0x48: {  	(v2sf) =	vpush v0, $0x2;
	_ =	sdelay $0x1  }
0x49: {  	(v2sf) =	vpush v0, $0x4  }
.Ltmp0:
0x4a: {  	(pc) =	sbr.rel @p0 .LBB2_2-.Ltmp0, $3  }
0x4b: {  	(v2sf) =	vpush v0, $0x3  }
0x4c: {  	(v2sf) =	vpush v0, $0x5;
	_ =	sdelay $0x1  }
0x4d: {  	s18 =	sshra.s32 s21, $0x2;
	(v2sf) =	vpush v0, $0x6  }
0x4e: {  	_ =	sdelay $0x1  }
0x4f: {  	s0 =	sadd.s32 $0x180, s18;
	s21 =	sadd.s32 $0x680, s18  }
0x50: {  	s1 =	sadd.s32 $0x480, s18;
	s19 =	sadd.s32 $0x700, s18;
	(v2sf) =	vpush v0, $0x7;
	s4 =	sadd.s32 $0x380, s18  }
0x51: {  	s11 =	sadd.s32 $0x500, s18;
	s20 =	sadd.s32 $0x780, s18;
	s14 =	sadd.s32 $0x100, s18  }
0x52: {  	s15 =	sadd.s32 $0x300, s18;
	s16 =	sadd.s32 $0x400, s18;
	(v2sf) =	vpush v0, $0x8;
	s22 =	spop (v2sf)  }
0x53: {  	s23 =	sadd.s32 $0x200, s18;
	s22 =	sand.u32 $0x1FFFFFF0, s22;
	s24 =	spop (v2sf)  }
0x54: {  	(v2sf) =	vpush v0, $0x9;
	s22 =	sadd.s32 s3, s22;
	s24 =	sand.u32 $0x1FFFFFF0, s24;
	s25 =	spop (v2sf)  }
0x55: {  	[tilespmem:s14], [sflag:$0x1] =	stream.linear.gather [hbm4b:s22+s2], $0x80, $0x38;
	[tilespmem:$0x10300] =	vst v63  }
0x56: {  	s26 =	sadd.s32 $0x280, s18;
	(v2sf) =	vpush v0, $0xA;
	s30 =	sadd.s32 s3, s24;
	s31 =	spop (v2sf)  }
0x57: {  	[tilespmem:s0], [sflag:$0x1] =	stream.linear.gather [hbm4b:s30+s2], $0x80, $0x38;
	[tilespmem:$0x10300] =	vst v63  }
0x58: {  	s14 =	sadd.s32 $0x600, s18;
	s28 =	sand.u32 $0x1FFFFFF0, s25;
	(v2sf) =	vpush v0, $0xB;
	s29 =	spop (v2sf)  }
0x59: {  	s22 =	sadd.s32 s3, s28;
	s0 =	sadd.s32 $0x580, s18;
	s25 =	sand.u32 $0x1FFFFFF0, s29  }
0x5a: {  	(v2sf) =	vpush v0, $0xC;
	[tilespmem:s23], [sflag:$0x1] =	stream.linear.gather [hbm4b:s22+s2], $0x80, $0x38;
	[tilespmem:$0x10300] =	vst v63  }
0x5b: {  	s30 =	sand.u32 $0x1FFFFFF0, s31;
	s31 =	spop (v2sf);
	s28 =	sadd.s32 s3, s25  }
0x5c: {  	(v2sf) =	vpush v0, $0xD;
	[tilespmem:s26], [sflag:$0x1] =	stream.linear.gather [hbm4b:s28+s2], $0x80, $0x38;
	[tilespmem:$0x10300] =	vst v63  }
0x5d: {  	s22 =	sadd.s32 s3, s30;
	s23 =	sand.u32 $0x1FFFFFF0, s31;
	s29 =	spop (v2sf)  }
0x5e: {  	(v2sf) =	vpush v0, $0xE;
	[tilespmem:s15], [sflag:$0x1] =	stream.linear.gather [hbm4b:s22+s2], $0x80, $0x38;
	[tilespmem:$0x10300] =	vst v63  }
0x5f: {  	s23 =	sadd.s32 s3, s23;
	s30 =	sand.u32 $0x1FFFFFF0, s29;
	s31 =	spop (v2sf)  }
0x60: {  	(v2sf) =	vpush v0, $0xF;
	[tilespmem:s4], [sflag:$0x1] =	stream.linear.gather [hbm4b:s23+s2], $0x80, $0x38;
	[tilespmem:$0x10300] =	vst v63  }
0x61: {  	s24 =	sand.u32 $0x1FFFFFF0, s31;
	s25 =	spop (v2sf);
	s15 =	sadd.s32 s3, s30  }
0x62: {  	[tilespmem:s16], [sflag:$0x1] =	stream.linear.gather [hbm4b:s15+s2], $0x80, $0x38;
	[tilespmem:$0x10300] =	vst v63  }
0x63: {  	s26 =	sand.u32 $0x1FFFFFF0, s25;
	s4 =	sadd.s32 s3, s24;
	s28 =	spop (v2sf)  }
0x64: {  	[tilespmem:s1], [sflag:$0x1] =	stream.linear.gather [hbm4b:s4+s2], $0x80, $0x38;
	[tilespmem:$0x10300] =	vst v63  }
0x65: {  	s15 =	sadd.s32 s3, s26;
	s29 =	sand.u32 $0x1FFFFFF0, s28;
	s30 =	spop (v2sf)  }
0x66: {  	[tilespmem:s11], [sflag:$0x1] =	stream.linear.gather [hbm4b:s15+s2], $0x80, $0x38;
	[tilespmem:$0x10300] =	vst v63  }
0x67: {  	s4 =	sand.u32 $0x1FFFFFF0, s30;
	s1 =	sadd.s32 s3, s29;
	s31 =	spop (v2sf)  }
0x68: {  	[tilespmem:s0], [sflag:$0x1] =	stream.linear.gather [hbm4b:s1+s2], $0x80, $0x38;
	[tilespmem:$0x10300] =	vst v63  }
0x69: {  	s4 =	sadd.s32 s3, s4;
	s15 =	sand.u32 $0x1FFFFFF0, s31;
	s16 =	spop (v2sf)  }
0x6a: {  	[tilespmem:s14], [sflag:$0x1] =	stream.linear.gather [hbm4b:s4+s2], $0x80, $0x38;
	[tilespmem:$0x10300] =	vst v63  }
0x6b: {  	s0 =	sadd.s32 s3, s15;
	s1 =	sand.u32 $0x1FFFFFF0, s16;
	s22 =	spop (v2sf)  }
0x6c: {  	[tilespmem:s21], [sflag:$0x1] =	stream.linear.gather [hbm4b:s0+s2], $0x80, $0x38;
	[tilespmem:$0x10300] =	vst v63  }
0x6d: {  	s23 =	sand.u32 $0x1FFFFFF0, s22;
	s1 =	sadd.s32 s3, s1;
	s24 =	spop (v2sf)  }
0x6e: {  	[tilespmem:s19], [sflag:$0x1] =	stream.linear.gather [hbm4b:s1+s2], $0x80, $0x38;
	[tilespmem:$0x10300] =	vst v63  }
0x6f: {  	s25 =	sand.u32 $0x1FFFFFF0, s24;
	s26 =	spop (v2sf);
	s0 =	sadd.s32 s3, s23  }
0x70: {  	[tilespmem:s20], [sflag:$0x1] =	stream.linear.gather [hbm4b:s0+s2], $0x80, $0x38;
	[tilespmem:$0x10300] =	vst v63  }
0x71: {  	s29 =	sadd.s32 $0x800, s18;
	s28 =	sand.u32 $0x1FFFFFF0, s26;
	s1 =	sadd.s32 s3, s25  }
0x72: {  	[tilespmem:s29], [sflag:$0x1] =	stream.linear.gather [hbm4b:s1+s2], $0x80, $0x38;
	[tilespmem:$0x10300] =	vst v63  }
0x73: {  	s30 =	sadd.s32 $0x880, s18;
	s0 =	sadd.s32 s3, s28  }
0x74: {  	[tilespmem:s30], [sflag:$0x1] =	stream.linear.gather [hbm4b:s0+s2], $0x80, $0x38;
	[tilespmem:$0x10300] =	vst v63  }
0x75: {  	_ =	swait.ge [sflag:s12], $0x8000  }
0x76: {  	[sflag:s12] =	ssyncset.done $0x0  }
0x77: {  	[sflag:s12] =	ssyncadd.s32 $0xFFFF8000  }
0x78: {  	_ =	swait.ge [sflag:s13], $0x8000  }
0x79: {  	[sflag:s13] =	ssyncset.done $0x0  }
0x7a: {  	s31 =	simm.s32 $0x0;
	[sflag:s13] =	ssyncadd.s32 $0xFFFF8000  }
0x7b: {  	v2 =	vld [tilespmem:s31+$0x100]  }
0x7c: {  	v3 =	vld [tilespmem:s31+$0x8100]  }
0x7d: {  	v5 =	vld [tilespmem:s31+$0x110]  }
0x7e: {  	v11 =	vld [tilespmem:s31+$0x8110]  }
0x7f: {  	v4 =	vld [tilespmem:s31+$0x120]  }
0x80: {  	v0 =	vld [tilespmem:s31+$0x8120]  }
0x81: {  	v1 =	vld [tilespmem:s31+$0x130];
	v6 =	vmul.f32 v2, v2  }
0x82: {  	v10 =	vimm.f32 $0.0e+00;
	s18 =	simm.s32 $0x80;
	v9 =	vmul.f32 v3, v2;
	v12 =	vmul.f32 v3, v3;
	v2 =	vld [tilespmem:s31+$0x8130]  }
0x83: {  	v3 =	vld [tilespmem:s18+$0x100];
	v8 =	vmul.f32 v5, v5;
	v7 =	vadd.f32 v6, v10;
	v6 =	vmul.f32 v11, v5  }
0x84: {  	s19 =	simm.s32 $0x400;
	v5 =	vld [tilespmem:s18+$0x8100];
	v9 =	vadd.f32 v9, v10;
	v10 =	vadd.f32 v12, v10;
	v11 =	vmul.f32 v11, v11  }
.LBB2_4:
0x85: {  	p0 =	sne.s32 s19, $0x1FE00;
	v12 =	vld [tilespmem:s18+$0x110];
	v7 =	vadd.f32 v8, v7;
	v8 =	vmul.f32 v4, v4;
	v13 =	vmul.f32 v0, v4  }
0x86: {  	v14 =	vld [tilespmem:s18+$0x8110];
	v6 =	vadd.f32 v6, v9;
	v9 =	vadd.f32 v11, v10;
	v10 =	vmul.f32 v0, v0  }
0x87: {  	v4 =	vld [tilespmem:s18+$0x120];
	v7 =	vadd.f32 v8, v7;
	v8 =	vmul.f32 v1, v1;
	v11 =	vmul.f32 v2, v1  }
.Ltmp1:
0x88: {  	v0 =	vld [tilespmem:s18+$0x8120];
	v6 =	vadd.f32 v13, v6;
	v9 =	vadd.f32 v10, v9;
	v10 =	vmul.f32 v2, v2;
	(pc) =	sbr.rel @p0 .LBB2_4-.Ltmp1, $4  }
0x89: {  	v13 =	vmul.f32 v3, v3;
	v15 =	vmul.f32 v5, v3;
	v1 =	vld [tilespmem:s18+$0x130];
	v7 =	vadd.f32 v8, v7  }
0x8a: {  	v16 =	vmul.f32 v5, v5;
	v2 =	vld [tilespmem:s18+$0x8130];
	s18 =	sshra.s32 s19, $0x2;
	v11 =	vadd.f32 v11, v6;
	v10 =	vadd.f32 v10, v9  }
0x8b: {  	v8 =	vmul.f32 v12, v12;
	v3 =	vld [tilespmem:s18+$0x100];
	v7 =	vadd.f32 v13, v7;
	v6 =	vmul.f32 v14, v12  }
0x8c: {  	s19 =	sadd.s32 $0x200, s19;
	v5 =	vld [tilespmem:s18+$0x8100];
	v9 =	vadd.f32 v15, v11;
	v10 =	vadd.f32 v16, v10;
	v11 =	vmul.f32 v14, v14  }
0x8d: {  	v7 =	vadd.f32 v8, v7;
	v40 =	vmul.f32 v4, v4  }
0x8e: {  	v12 =	vld [tilespmem:s18+$0x110];
	v41 =	vmul.f32 v0, v4;
	v43 =	vmul.f32 v0, v0;
	v6 =	vadd.f32 v6, v9  }
0x8f: {  	v13 =	vld [tilespmem:s18+$0x8110];
	v42 =	vadd.f32 v11, v10;
	v44 =	vmul.f32 v1, v1;
	v7 =	vadd.f32 v40, v7  }
0x90: {  	v46 =	vld [tilespmem:s18+$0x120];
	v45 =	vmul.f32 v2, v1;
	v47 =	vmul.f32 v2, v2;
	v4 =	vadd.f32 v41, v6  }
0x91: {  	v48 =	vld [tilespmem:s18+$0x8120];
	v0 =	vadd.f32 v43, v42;
	v49 =	vmul.f32 v3, v3;
	v7 =	vadd.f32 v44, v7  }
0x92: {  	v51 =	vld [tilespmem:s18+$0x130];
	v50 =	vmul.f32 v5, v3;
	v52 =	vmul.f32 v5, v5;
	v1 =	vadd.f32 v45, v4  }
0x93: {  	v53 =	vld [tilespmem:s18+$0x8130];
	v0 =	vadd.f32 v47, v0;
	v55 =	vmul.f32 v12, v12;
	v54 =	vadd.f32 v49, v7  }
0x94: {  	v56 =	vmul.f32 v13, v12;
	v57 =	vmul.f32 v13, v13;
	v1 =	vadd.f32 v50, v1  }
0x95: {  	v58 =	vmul.f32 v46, v46;
	v0 =	vadd.f32 v52, v0;
	v4 =	vadd.f32 v55, v54  }
0x96: {  	v59 =	vmul.f32 v48, v46;
	v60 =	vmul.f32 v48, v48;
	v1 =	vadd.f32 v56, v1  }
0x97: {  	v61 =	vmul.f32 v51, v51;
	v0 =	vadd.f32 v57, v0;
	v4 =	vadd.f32 v58, v4  }
0x98: {  	v62 =	vmul.f32 v53, v51;
	v1 =	vadd.f32 v59, v1  }
0x99: {  	v2 =	vmul.f32 v53, v53;
	v0 =	vadd.f32 v60, v0;
	v63 =	vadd.f32 v61, v4  }
0x9a: {  	v1 =	vadd.f32 v62, v1  }
0x9b: {  	v0 =	vadd.f32 v2, v0;
	[tilespmem:$0x10100] =	vst v63  }
0x9c: {  	[tilespmem:$0x10180] =	vst v1  }
0x9d: {  	s0 =	simm.s32 $0x10100;
	[tilespmem:$0x10200] =	vst v0  }
0x9e: {  	[hbm4b:s6+s2] =	stream.linear.scatter [tilespmem:s0], [sflag:$0x3], $0x80, $0x38;
	[tilespmem:$0x10300] =	vst v63  }
0x9f: {  	_ =	swait.ge [sflag:s10], $0x80  }
0xa0: {  	[sflag:s10] =	ssyncset.done $0x0  }
0xa1: {  	s30 =	simm.s32 $0x10180;
	[sflag:s10] =	ssyncadd.s32 $0xFFFFFF80  }
0xa2: {  	[hbm4b:s7+s2] =	stream.linear.scatter [tilespmem:s30], [sflag:$0x3], $0x80, $0x38;
	[tilespmem:$0x10300] =	vst v63  }
0xa3: {  	s17 =	sadd.s32 $0x1, s17;
	_ =	swait.ge [sflag:s10], $0x80  }
0xa4: {  	p0 =	sne.s32 s17, s9;
	[sflag:s10] =	ssyncset.done $0x0  }
.Ltmp2:
0xa5: {  	s31 =	simm.s32 $0x10200;
	[sflag:s10] =	ssyncadd.s32 $0xFFFFFF80;
	(pc) =	sbr.rel @p0 .LBB2_1-.Ltmp2, $4  }
0xa6: {  	[hbm4b:s8+s2] =	stream.linear.scatter [tilespmem:s31], [sflag:$0x3], $0x80, $0x38;
	[tilespmem:$0x10300] =	vst v63  }
0xa7: {  	_ =	swait.ge [sflag:s10], $0x80  }
0xa8: {  	[sflag:s10] =	ssyncset.done $0x0  }
0xa9: {  	[sflag:s10] =	ssyncadd.s32 $0xFFFFFF80  }
0xaa: {  	_ =	sfence.sel $0x180000  }
0xab: {  	[bflag:$0x0] =	sbarrier.arrive $0xFFFF  }
0xac: {  	_ =	strace $0x90000047  }
0xad: {  	s0 =	stileid.u32;
	[bflag:$0x2] =	sbarrier.arrive $0xFFFF  }
0xae: {  	p0 =	sne.s32 s0, $0x0;
	s0 =	rddreg [dreg:$0x1]  }
0xaf: {  	s0 =	sadd.s32 @!p0 $0x100000, s0  }
0xb0: {  	[sflag:s0] =	ssyncadd.tile.s32 @!p0 $0x1;
	_ =	shalt  }
.Lfunc_end2:
_tile_overlayer_lowered:
.L_overlay_start_2:
0xb1: {  	(tag) =	ssettag $0x2  }
0xb2: {  	s0 =	rddreg [dreg:$0x0];
	s2 =	stileid.u32  }
0xb3: {  	s1 =	rddreg [dreg:$0x1];
	p0 =	sne.s32 s2, $0x0  }
0xb4: {  	s3 =	rddreg [dreg:$0x2];
	[bflag:$0x3] =	sbarrier.arrive $0xFFFF;
	s2 =	simm.s32 @!p0 $0x1C03  }
0xb5: {  	[timem:s3], [sflag:s2] =	dma.local @!p0 [hbm:s0], s1  }
0xb6: {  	s0 =	simm.s32 @!p0 $0x3  }
0xb7: {  	_ =	swait.ge @!p0 [sflag:s0], s1  }
0xb8: {  	s1 =	ssub.s32 @!p0 $0x0, s1;
	[sflag:s0] =	ssyncset.done @!p0 $0x0  }
0xb9: {  	[sflag:s0] =	ssyncadd.s32 @!p0 s1  }
0xba: {  	[bflag:$0x3] =	sbarrier.arrive $0xFFFF  }
0xbb: {  	_ =	shalt  }

</sc_bundles>
